<compile_context>
chip_gen: v7x
topology: tpu7x:2x2x1
jax: 0.10.2.dev20260603
libtpu: 0.0.44.dev20260713+nightly
codegen_flags: <defaults>
</compile_context>

<pallas_src>
import jax
import jax.numpy as jnp
from jax import lax
from jax.experimental import pallas as pl
from jax.experimental.pallas import tpu as pltpu
from jax.experimental.pallas import tpu_sc as plsc

N = 10000
E = 320000
G = 64
H = 256
EPS = 1e-5

NS = 16
N_PAD = 10240
SLICE = N_PAD // NS
EPT = E // NS
ITER = EPT // 16


def _fill(ref, n, value):
    v = jnp.full((16,), value, jnp.float32)

    @pl.loop(0, n // 16)
    def _(i):
        ref[pl.ds(i * 16, 16)] = v


def _rsqrt16(d):
    i = plsc.bitcast(d, jnp.int32)
    i = jnp.int32(0x5F3759DF) - lax.shift_right_logical(i, 1)
    y = plsc.bitcast(i, jnp.float32)
    half = d * 0.5
    for _ in range(3):
        y = y * (1.5 - half * y * y)
    return y


def _sc_kernel(src_hbm, dst_hbm, x_hbm, u_out, dinv_out, agg_parts, deg_parts,
               acc, u_v, src_v, dst_v, red, xbuf, dbuf):
    s = lax.axis_index("s")
    sl = pl.ds(s * SLICE, SLICE)
    _fill(acc, N_PAD, 0.0)
    pltpu.sync_copy(dst_hbm.at[pl.ds(s * EPT, EPT)], dst_v)
    pltpu.sync_copy(src_hbm.at[pl.ds(s * EPT, EPT)], src_v)
    ones = jnp.full((16,), 1.0, jnp.float32)

    @pl.loop(0, ITER, unroll=50)
    def _(k):
        idx = dst_v[pl.ds(k * 16, 16)]
        plsc.addupdate_scatter(acc, [idx], ones)

    pltpu.sync_copy(acc, deg_parts.at[s])
    plsc.subcore_barrier()

    pltpu.sync_copy(deg_parts.at[pl.ds(0, NS), sl], red)
    pltpu.sync_copy(x_hbm.at[sl], xbuf)

    @pl.loop(0, SLICE // 16)
    def _(i):
        ix = pl.ds(i * 16, 16)
        d = red[0, ix]
        for r in range(1, NS):
            d = d + red[r, ix]
        dinv = _rsqrt16(d + 1.0)
        dbuf[ix] = dinv
        xbuf[ix] = xbuf[ix] * dinv

    pltpu.sync_copy(xbuf, u_out.at[sl])
    pltpu.sync_copy(dbuf, dinv_out.at[sl])
    plsc.subcore_barrier()

    pltpu.sync_copy(u_out, u_v)
    _fill(acc, N_PAD, 0.0)

    @pl.loop(0, ITER, unroll=50)
    def _(k):
        six = src_v[pl.ds(k * 16, 16)]
        dix = dst_v[pl.ds(k * 16, 16)]
        vals = plsc.load_gather(u_v, [six])
        plsc.addupdate_scatter(acc, [dix], vals)

    pltpu.sync_copy(acc, agg_parts.at[s])


def _dot(a, b):
    return jnp.dot(a, b, precision=lax.Precision.HIGHEST,
                   preferred_element_type=jnp.float32)


def _head_body(aggp_ref, u_ref, dinv_ref, brow_ref, bcol_ref, W1c_ref, b1c_ref,
               gamma_ref, beta_ref, Wl1aT_ref, Wl1bT_ref, bl1c_ref, yfT_ref,
               Wl2T_ref, bl2c_ref, out_ref):
    agg = jnp.sum(aggp_ref[...], axis=0, keepdims=True)
    s_row = dinv_ref[...] * (agg + u_ref[...])
    h = jax.nn.gelu(W1c_ref[...] * s_row + b1c_ref[...])
    valid_row = (brow_ref[...] < G).astype(jnp.float32)
    hm = h * valid_row
    total = jnp.sum(hm, axis=1, keepdims=True)
    totalsq = jnp.sum(hm * hm, axis=1, keepdims=True)
    iota_g = lax.broadcasted_iota(jnp.int32, (N_PAD, G), 1)
    bcol = bcol_ref[...].astype(jnp.int32)
    onehot_t = (bcol == iota_g).astype(jnp.float32)
    sums_t = _dot(h, onehot_t)
    counts = jnp.sum(onehot_t, axis=0, keepdims=True)
    mu = total * (1.0 / N)
    var = totalsq * (1.0 / N) - mu * mu
    pooled_t = sums_t / jnp.maximum(counts, 1.0)
    bn_t = (pooled_t - mu) * lax.rsqrt(var + EPS) * gamma_ref[...] + beta_ref[...]
    z1 = _dot(Wl1aT_ref[...], bn_t) + _dot(Wl1bT_ref[...], yfT_ref[...]) + bl1c_ref[...]
    g1 = jax.nn.gelu(z1)
    out_ref[...] = jax.nn.sigmoid(_dot(Wl2T_ref[...], g1) + bl2c_ref[...])


def kernel(x, edge_index, batch, y_feat, W1, b1, gamma, beta, Wl1, bl1, Wl2, bl2):
    f32 = jnp.float32
    src_f = edge_index[0]
    dst_f = edge_index[1]
    xp = jnp.pad(x[:, 0], (0, N_PAD - N))

    mesh = plsc.VectorSubcoreMesh(
        core_axis_name="c", subcore_axis_name="s", num_cores=1, num_subcores=NS
    )
    sc_call = pl.kernel(
        _sc_kernel,
        out_type=[
            jax.ShapeDtypeStruct((N_PAD,), f32),
            jax.ShapeDtypeStruct((N_PAD,), f32),
            jax.ShapeDtypeStruct((NS, N_PAD), f32),
            jax.ShapeDtypeStruct((NS, N_PAD), f32),
        ],
        mesh=mesh,
        compiler_params=pltpu.CompilerParams(
            needs_layout_passes=False, disable_bounds_checks=True
        ),
        scratch_types=[
            pltpu.VMEM((N_PAD,), f32),
            pltpu.VMEM((N_PAD,), f32),
            pltpu.VMEM((EPT,), jnp.int32),
            pltpu.VMEM((EPT,), jnp.int32),
            pltpu.VMEM((NS, SLICE), f32),
            pltpu.VMEM((SLICE,), f32),
            pltpu.VMEM((SLICE,), f32),
        ],
    )
    u_flat, dinv_flat, agg_parts, _ = sc_call(src_f, dst_f, xp)

    batch_p = jnp.pad(batch, (0, N_PAD - N), constant_values=G)
    out_t = pl.pallas_call(
        _head_body,
        out_shape=jax.ShapeDtypeStruct((2, G), f32),
    )(
        agg_parts,
        u_flat.reshape(1, N_PAD),
        dinv_flat.reshape(1, N_PAD),
        batch_p.reshape(1, N_PAD),
        batch_p.astype(jnp.int8).reshape(N_PAD, 1),
        W1.reshape(H, 1),
        b1.reshape(H, 1),
        gamma.reshape(H, 1),
        beta.reshape(H, 1),
        Wl1[:H].T,
        Wl1[H:].T,
        bl1.reshape(-1, 1),
        y_feat.T,
        Wl2.T,
        bl2.reshape(-1, 1),
    )
    return out_t.T

# --- scband reference (transcript-rebuilt; emitter-appended) ---
"""Pipeline reference for scband-gcn-89773406421550 (READ-ONLY COPY).

The authoritative reference and input builder live on the scoring server;
editing this copy changes nothing except your own understanding.
"""

import jax, jax.numpy as jnp
import numpy as np

N = 10000
E = 320000
G = 64
H = 256
ADD = 7
D_LIN1 = 128
EPS = 1e-5


def setup_inputs(seed: int = 0) -> dict:
    key = jax.random.key(seed)
    ks = jax.random.split(key, 12)
    x = jax.random.normal(ks[0], (N, 1), dtype=jnp.float32)
    edge_index = jax.random.randint(ks[1], (2, E), 0, N, dtype=jnp.int32)
    batch = jnp.sort(jax.random.randint(ks[2], (N,), 0, G, dtype=jnp.int32))
    y_feat = jax.random.normal(ks[3], (G, ADD), dtype=jnp.float32)
    W1 = jax.random.normal(ks[4], (1, H), dtype=jnp.float32) * (1.0 / np.sqrt(1.0))
    b1 = jnp.zeros((H,), dtype=jnp.float32)
    gamma = jnp.ones((H,), dtype=jnp.float32)
    beta = jnp.zeros((H,), dtype=jnp.float32)
    Wl1 = jax.random.normal(ks[5], (H + ADD, D_LIN1), dtype=jnp.float32) * (1.0 / np.sqrt(H + ADD))
    bl1 = jnp.zeros((D_LIN1,), dtype=jnp.float32)
    Wl2 = jax.random.normal(ks[6], (D_LIN1, 2), dtype=jnp.float32) * (1.0 / np.sqrt(D_LIN1))
    bl2 = jnp.zeros((2,), dtype=jnp.float32)
    return {"x": x, "edge_index": edge_index, "batch": batch, "y_feat": y_feat,
            "W1": W1, "b1": b1, "gamma": gamma, "beta": beta,
            "Wl1": Wl1, "bl1": bl1, "Wl2": Wl2, "bl2": bl2}


def _gcn_conv(x, edge_index, W, b, num_nodes):
    # PyG GCNConv with add_self_loops=True, symmetric normalization
    loop = jnp.arange(num_nodes, dtype=edge_index.dtype)
    src = jnp.concatenate([edge_index[0], loop])
    dst = jnp.concatenate([edge_index[1], loop])
    deg = jax.ops.segment_sum(jnp.ones_like(dst, dtype=x.dtype), dst, num_segments=num_nodes)
    dinv = jnp.where(deg > 0, 1.0 / jnp.sqrt(deg), 0.0)
    norm = dinv[src] * dinv[dst]
    h = x @ W  # [N, H]
    msg = jnp.take(h, src, axis=0) * norm[:, None]  # gather (memory-bound)
    out = jax.ops.segment_sum(msg, dst, num_segments=num_nodes)  # scatter-add
    return out + b


def reference(x, edge_index, batch, y_feat, W1, b1, gamma, beta, Wl1, bl1, Wl2, bl2):
    h = jax.nn.gelu(_gcn_conv(x, edge_index, W1, b1, N))
    # BatchNorm over node dimension (training-mode batch statistics)
    mu = jnp.mean(h, axis=0)
    var = jnp.var(h, axis=0)
    h = (h - mu) / jnp.sqrt(var + EPS) * gamma + beta
    # global_mean_pool by graph id
    sums = jax.ops.segment_sum(h, batch, num_segments=G)
    counts = jax.ops.segment_sum(jnp.ones((N,), dtype=h.dtype), batch, num_segments=G)
    pooled = sums / jnp.clip(counts, 1.0)[:, None]
    z = jnp.concatenate([pooled, y_feat], axis=1)  # [G, H+ADD]
    z = jax.nn.gelu(z @ Wl1 + bl1)
    z = jax.nn.sigmoid(z @ Wl2 + bl2)
    return z


if False:  # reference __main__ guard neutralized (emitter)
    out = reference(**setup_inputs())
    print(out.shape, out.dtype)

if __name__ == "__main__":
    import jax
    _d = setup_inputs()
    print(jax.jit(kernel)(*tuple(_d.values())))

</pallas_src>

<mosaic_0001>
#map = affine_map<(d0, d1) -> (0)>
#map1 = affine_map<(d0, d1) -> (0, 0)>
module attributes {stable_mosaic.version = 14 : i64} {
  func.func @_sc_kernel(%arg0: i32, %arg1: i32, %arg2: memref<320000xi32, #tpu.memory_space<hbm>>, %arg3: memref<320000xi32, #tpu.memory_space<hbm>>, %arg4: memref<10240xf32, #tpu.memory_space<hbm>>, %arg5: memref<10240xf32, #tpu.memory_space<hbm>>, %arg6: memref<10240xf32, #tpu.memory_space<hbm>>, %arg7: memref<16x10240xf32, #tpu.memory_space<hbm>>, %arg8: memref<16x10240xf32, #tpu.memory_space<hbm>>, %arg9: memref<10240xf32, #tpu.memory_space<vmem>>, %arg10: memref<10240xf32, #tpu.memory_space<vmem>>, %arg11: memref<20000xi32, #tpu.memory_space<vmem>>, %arg12: memref<20000xi32, #tpu.memory_space<vmem>>, %arg13: memref<16x640xf32, #tpu.memory_space<vmem>>, %arg14: memref<640xf32, #tpu.memory_space<vmem>>, %arg15: memref<640xf32, #tpu.memory_space<vmem>>) attributes {dimension_semantics = [#tpu.dimension_semantics<core_parallel>, #tpu.dimension_semantics<subcore_parallel>], iteration_bounds = array<i64: 1, 16>, scalar_prefetch = 0 : i64, scratch_operands = 7 : i64, tpu.core_type = #tpu.core_type<sc_vector_subcore>, window_params = [{transform_indices = #map}, {transform_indices = #map}, {transform_indices = #map}, {transform_indices = #map}, {transform_indices = #map}, {transform_indices = #map1}, {transform_indices = #map1}]} {
    %mul3A = arith.constant 640 : i32
    %mul3A_0 = arith.muli %arg1, %mul3A : i32
    %broadcast_in_dim3A = arith.constant 0.000000e+00 : f32
    %broadcast_in_dim3A_1 = vector.broadcast %broadcast_in_dim3A : f32 to vector<16xf32>
    %scan3A = arith.constant 0 : i32
    %scan3A_2 = arith.constant 640 : i32
    %scan3A_3 = arith.addi %scan3A, %scan3A_2 : i32
    %scan3A_4 = arith.constant 1 : i32
    scf.for %scan3A_35 = %scan3A to %scan3A_3 step %scan3A_4  : i32 {
      %mul3A_36 = arith.constant 1 : i32
      %mul3A_37 = arith.muli %scan3A_35, %mul3A_36 : i32
      %add3A = arith.constant 0 : i32
      %add3A_38 = arith.addi %add3A, %mul3A_37 : i32
      %mul3A_39 = arith.constant 16 : i32
      %mul3A_40 = arith.muli %add3A_38, %mul3A_39 : i32
      %swap3A = arith.index_cast %mul3A_40 : i32 to index
      %swap3A_41 = tpu.vector_load %arg9[%swap3A] {strides = array<i32>} : memref<10240xf32, #tpu.memory_space<vmem>>, vector<16xf32>,
      tpu.vector_store %arg9[%swap3A], %broadcast_in_dim3A_1 {strides = array<i32>} : memref<10240xf32, #tpu.memory_space<vmem>>, vector<16xf32>,
    }
    %scan3A_5 = arith.constant 640 : i32
    %mul3A_6 = arith.constant 20000 : i32
    %mul3A_7 = arith.muli %arg1, %mul3A_6 : i32
    "tpu.region"() ({
      %run_scoped3A = tpu.sem_alloc : memref<!tpu.dma_semaphore, #tpu.memory_space<semaphore_mem>>
      %dma_start3A = tpu.memref_slice %arg3[%mul3A_7] : memref<320000xi32, #tpu.memory_space<hbm>> -> memref<20000xi32, #tpu.memory_space<hbm>>
      %dma_start3A_35 = tpu.memref_slice %arg3[%mul3A_7] : memref<320000xi32, #tpu.memory_space<hbm>> -> memref<20000xi32, #tpu.memory_space<hbm>>
      tpu.enqueue_dma source(%dma_start3A_35 : memref<20000xi32, #tpu.memory_space<hbm>>) target(%arg12 : memref<20000xi32, #tpu.memory_space<vmem>>) target_semaphore(%run_scoped3A : memref<!tpu.dma_semaphore, #tpu.memory_space<semaphore_mem>>)
      %dma_wait3A = tpu.memref_slice %arg3[%mul3A_7] : memref<320000xi32, #tpu.memory_space<hbm>> -> memref<20000xi32, #tpu.memory_space<hbm>>
      %dma_wait3A_36 = tpu.memref_slice %arg3[%mul3A_7] : memref<320000xi32, #tpu.memory_space<hbm>> -> memref<20000xi32, #tpu.memory_space<hbm>>
      tpu.wait_dma2 semaphore(%run_scoped3A : memref<!tpu.dma_semaphore, #tpu.memory_space<semaphore_mem>>) src(%dma_wait3A_36 : memref<20000xi32, #tpu.memory_space<hbm>>) dst(%arg12 : memref<20000xi32, #tpu.memory_space<vmem>>)
      tpu.yield
    }) : () -> ()
    %mul3A_8 = arith.constant 20000 : i32
    %mul3A_9 = arith.muli %arg1, %mul3A_8 : i32
    "tpu.region"() ({
      %run_scoped3A = tpu.sem_alloc : memref<!tpu.dma_semaphore, #tpu.memory_space<semaphore_mem>>
      %dma_start3A = tpu.memref_slice %arg2[%mul3A_9] : memref<320000xi32, #tpu.memory_space<hbm>> -> memref<20000xi32, #tpu.memory_space<hbm>>
      %dma_start3A_35 = tpu.memref_slice %arg2[%mul3A_9] : memref<320000xi32, #tpu.memory_space<hbm>> -> memref<20000xi32, #tpu.memory_space<hbm>>
      tpu.enqueue_dma source(%dma_start3A_35 : memref<20000xi32, #tpu.memory_space<hbm>>) target(%arg11 : memref<20000xi32, #tpu.memory_space<vmem>>) target_semaphore(%run_scoped3A : memref<!tpu.dma_semaphore, #tpu.memory_space<semaphore_mem>>)
      %dma_wait3A = tpu.memref_slice %arg2[%mul3A_9] : memref<320000xi32, #tpu.memory_space<hbm>> -> memref<20000xi32, #tpu.memory_space<hbm>>
      %dma_wait3A_36 = tpu.memref_slice %arg2[%mul3A_9] : memref<320000xi32, #tpu.memory_space<hbm>> -> memref<20000xi32, #tpu.memory_space<hbm>>
      tpu.wait_dma2 semaphore(%run_scoped3A : memref<!tpu.dma_semaphore, #tpu.memory_space<semaphore_mem>>) src(%dma_wait3A_36 : memref<20000xi32, #tpu.memory_space<hbm>>) dst(%arg11 : memref<20000xi32, #tpu.memory_space<vmem>>)
      tpu.yield
    }) : () -> ()
    %broadcast_in_dim3A_10 = arith.constant 1.000000e+00 : f32
    %broadcast_in_dim3A_11 = vector.broadcast %broadcast_in_dim3A_10 : f32 to vector<16xf32>
    %scan3A_12 = arith.constant 0 : i32
    %scan3A_13 = arith.constant 1250 : i32
    %scan3A_14 = arith.addi %scan3A_12, %scan3A_13 : i32
    %scan3A_15 = arith.constant 50 : i32
    scf.for %scan3A_35 = %scan3A_12 to %scan3A_14 step %scan3A_15  : i32 {
      %mul3A_36 = arith.constant 1 : i32
      %mul3A_37 = arith.muli %scan3A_35, %mul3A_36 : i32
      %add3A = arith.constant 0 : i32
      %add3A_38 = arith.addi %add3A, %mul3A_37 : i32
      %mul3A_39 = arith.constant 16 : i32
      %mul3A_40 = arith.muli %add3A_38, %mul3A_39 : i32
      %get3A = arith.index_cast %mul3A_40 : i32 to index
      %get3A_41 = tpu.vector_load %arg12[%get3A] {strides = array<i32>} : memref<20000xi32, #tpu.memory_space<vmem>>, vector<16xi32>,
      tpu.vector_store_idx %arg9[%get3A_41], %broadcast_in_dim3A_11 {add = true} : memref<10240xf32, #tpu.memory_space<vmem>>[vector<16xi32>], vector<16xf32>,
      %scan3A_42 = arith.constant 1 : i32
      %scan3A_43 = arith.addi %scan3A_35, %scan3A_42 : i32
      %mul3A_44 = arith.constant 1 : i32
      %mul3A_45 = arith.muli %scan3A_43, %mul3A_44 : i32
      %add3A_46 = arith.constant 0 : i32
      %add3A_47 = arith.addi %add3A_46, %mul3A_45 : i32
      %mul3A_48 = arith.constant 16 : i32
      %mul3A_49 = arith.muli %add3A_47, %mul3A_48 : i32
      %get3A_50 = arith.index_cast %mul3A_49 : i32 to index
      %get3A_51 = tpu.vector_load %arg12[%get3A_50] {strides = array<i32>} : memref<20000xi32, #tpu.memory_space<vmem>>, vector<16xi32>,
      tpu.vector_store_idx %arg9[%get3A_51], %broadcast_in_dim3A_11 {add = true} : memref<10240xf32, #tpu.memory_space<vmem>>[vector<16xi32>], vector<16xf32>,
      %scan3A_52 = arith.constant 2 : i32
      %scan3A_53 = arith.addi %scan3A_35, %scan3A_52 : i32
      %mul3A_54 = arith.constant 1 : i32
      %mul3A_55 = arith.muli %scan3A_53, %mul3A_54 : i32
      %add3A_56 = arith.constant 0 : i32
      %add3A_57 = arith.addi %add3A_56, %mul3A_55 : i32
      %mul3A_58 = arith.constant 16 : i32
      %mul3A_59 = arith.muli %add3A_57, %mul3A_58 : i32
      %get3A_60 = arith.index_cast %mul3A_59 : i32 to index
      %get3A_61 = tpu.vector_load %arg12[%get3A_60] {strides = array<i32>} : memref<20000xi32, #tpu.memory_space<vmem>>, vector<16xi32>,
      tpu.vector_store_idx %arg9[%get3A_61], %broadcast_in_dim3A_11 {add = true} : memref<10240xf32, #tpu.memory_space<vmem>>[vector<16xi32>], vector<16xf32>,
      %scan3A_62 = arith.constant 3 : i32
      %scan3A_63 = arith.addi %scan3A_35, %scan3A_62 : i32
      %mul3A_64 = arith.constant 1 : i32
      %mul3A_65 = arith.muli %scan3A_63, %mul3A_64 : i32
      %add3A_66 = arith.constant 0 : i32
      %add3A_67 = arith.addi %add3A_66, %mul3A_65 : i32
      %mul3A_68 = arith.constant 16 : i32
      %mul3A_69 = arith.muli %add3A_67, %mul3A_68 : i32
      %get3A_70 = arith.index_cast %mul3A_69 : i32 to index
      %get3A_71 = tpu.vector_load %arg12[%get3A_70] {strides = array<i32>} : memref<20000xi32, #tpu.memory_space<vmem>>, vector<16xi32>,
      tpu.vector_store_idx %arg9[%get3A_71], %broadcast_in_dim3A_11 {add = true} : memref<10240xf32, #tpu.memory_space<vmem>>[vector<16xi32>], vector<16xf32>,
      %scan3A_72 = arith.constant 4 : i32
      %scan3A_73 = arith.addi %scan3A_35, %scan3A_72 : i32
      %mul3A_74 = arith.constant 1 : i32
      %mul3A_75 = arith.muli %scan3A_73, %mul3A_74 : i32
      %add3A_76 = arith.constant 0 : i32
      %add3A_77 = arith.addi %add3A_76, %mul3A_75 : i32
      %mul3A_78 = arith.constant 16 : i32
      %mul3A_79 = arith.muli %add3A_77, %mul3A_78 : i32
      %get3A_80 = arith.index_cast %mul3A_79 : i32 to index
      %get3A_81 = tpu.vector_load %arg12[%get3A_80] {strides = array<i32>} : memref<20000xi32, #tpu.memory_space<vmem>>, vector<16xi32>,
      tpu.vector_store_idx %arg9[%get3A_81], %broadcast_in_dim3A_11 {add = true} : memref<10240xf32, #tpu.memory_space<vmem>>[vector<16xi32>], vector<16xf32>,
      %scan3A_82 = arith.constant 5 : i32
      %scan3A_83 = arith.addi %scan3A_35, %scan3A_82 : i32
      %mul3A_84 = arith.constant 1 : i32
      %mul3A_85 = arith.muli %scan3A_83, %mul3A_84 : i32
      %add3A_86 = arith.constant 0 : i32
      %add3A_87 = arith.addi %add3A_86, %mul3A_85 : i32
      %mul3A_88 = arith.constant 16 : i32
      %mul3A_89 = arith.muli %add3A_87, %mul3A_88 : i32
      %get3A_90 = arith.index_cast %mul3A_89 : i32 to index
      %get3A_91 = tpu.vector_load %arg12[%get3A_90] {strides = array<i32>} : memref<20000xi32, #tpu.memory_space<vmem>>, vector<16xi32>,
      tpu.vector_store_idx %arg9[%get3A_91], %broadcast_in_dim3A_11 {add = true} : memref<10240xf32, #tpu.memory_space<vmem>>[vector<16xi32>], vector<16xf32>,
      %scan3A_92 = arith.constant 6 : i32
      %scan3A_93 = arith.addi %scan3A_35, %scan3A_92 : i32
      %mul3A_94 = arith.constant 1 : i32
      %mul3A_95 = arith.muli %scan3A_93, %mul3A_94 : i32
      %add3A_96 = arith.constant 0 : i32
      %add3A_97 = arith.addi %add3A_96, %mul3A_95 : i32
      %mul3A_98 = arith.constant 16 : i32
      %mul3A_99 = arith.muli %add3A_97, %mul3A_98 : i32
      %get3A_100 = arith.index_cast %mul3A_99 : i32 to index
      %get3A_101 = tpu.vector_load %arg12[%get3A_100] {strides = array<i32>} : memref<20000xi32, #tpu.memory_space<vmem>>, vector<16xi32>,
      tpu.vector_store_idx %arg9[%get3A_101], %broadcast_in_dim3A_11 {add = true} : memref<10240xf32, #tpu.memory_space<vmem>>[vector<16xi32>], vector<16xf32>,
      %scan3A_102 = arith.constant 7 : i32
      %scan3A_103 = arith.addi %scan3A_35, %scan3A_102 : i32
      %mul3A_104 = arith.constant 1 : i32
      %mul3A_105 = arith.muli %scan3A_103, %mul3A_104 : i32
      %add3A_106 = arith.constant 0 : i32
      %add3A_107 = arith.addi %add3A_106, %mul3A_105 : i32
      %mul3A_108 = arith.constant 16 : i32
      %mul3A_109 = arith.muli %add3A_107, %mul3A_108 : i32
      %get3A_110 = arith.index_cast %mul3A_109 : i32 to index
      %get3A_111 = tpu.vector_load %arg12[%get3A_110] {strides = array<i32>} : memref<20000xi32, #tpu.memory_space<vmem>>, vector<16xi32>,
      tpu.vector_store_idx %arg9[%get3A_111], %broadcast_in_dim3A_11 {add = true} : memref<10240xf32, #tpu.memory_space<vmem>>[vector<16xi32>], vector<16xf32>,
      %scan3A_112 = arith.constant 8 : i32
      %scan3A_113 = arith.addi %scan3A_35, %scan3A_112 : i32
      %mul3A_114 = arith.constant 1 : i32
      %mul3A_115 = arith.muli %scan3A_113, %mul3A_114 : i32
      %add3A_116 = arith.constant 0 : i32
      %add3A_117 = arith.addi %add3A_116, %mul3A_115 : i32
      %mul3A_118 = arith.constant 16 : i32
      %mul3A_119 = arith.muli %add3A_117, %mul3A_118 : i32
      %get3A_120 = arith.index_cast %mul3A_119 : i32 to index
      %get3A_121 = tpu.vector_load %arg12[%get3A_120] {strides = array<i32>} : memref<20000xi32, #tpu.memory_space<vmem>>, vector<16xi32>,
      tpu.vector_store_idx %arg9[%get3A_121], %broadcast_in_dim3A_11 {add = true} : memref<10240xf32, #tpu.memory_space<vmem>>[vector<16xi32>], vector<16xf32>,
      %scan3A_122 = arith.constant 9 : i32
      %scan3A_123 = arith.addi %scan3A_35, %scan3A_122 : i32
      %mul3A_124 = arith.constant 1 : i32
      %mul3A_125 = arith.muli %scan3A_123, %mul3A_124 : i32
      %add3A_126 = arith.constant 0 : i32
      %add3A_127 = arith.addi %add3A_126, %mul3A_125 : i32
      %mul3A_128 = arith.constant 16 : i32
      %mul3A_129 = arith.muli %add3A_127, %mul3A_128 : i32
      %get3A_130 = arith.index_cast %mul3A_129 : i32 to index
      %get3A_131 = tpu.vector_load %arg12[%get3A_130] {strides = array<i32>} : memref<20000xi32, #tpu.memory_space<vmem>>, vector<16xi32>,
      tpu.vector_store_idx %arg9[%get3A_131], %broadcast_in_dim3A_11 {add = true} : memref<10240xf32, #tpu.memory_space<vmem>>[vector<16xi32>], vector<16xf32>,
      %scan3A_132 = arith.constant 10 : i32
      %scan3A_133 = arith.addi %scan3A_35, %scan3A_132 : i32
      %mul3A_134 = arith.constant 1 : i32
      %mul3A_135 = arith.muli %scan3A_133, %mul3A_134 : i32
      %add3A_136 = arith.constant 0 : i32
      %add3A_137 = arith.addi %add3A_136, %mul3A_135 : i32
      %mul3A_138 = arith.constant 16 : i32
      %mul3A_139 = arith.muli %add3A_137, %mul3A_138 : i32
      %get3A_140 = arith.index_cast %mul3A_139 : i32 to index
      %get3A_141 = tpu.vector_load %arg12[%get3A_140] {strides = array<i32>} : memref<20000xi32, #tpu.memory_space<vmem>>, vector<16xi32>,
      tpu.vector_store_idx %arg9[%get3A_141], %broadcast_in_dim3A_11 {add = true} : memref<10240xf32, #tpu.memory_space<vmem>>[vector<16xi32>], vector<16xf32>,
      %scan3A_142 = arith.constant 11 : i32
      %scan3A_143 = arith.addi %scan3A_35, %scan3A_142 : i32
      %mul3A_144 = arith.constant 1 : i32
      %mul3A_145 = arith.muli %scan3A_143, %mul3A_144 : i32
      %add3A_146 = arith.constant 0 : i32
      %add3A_147 = arith.addi %add3A_146, %mul3A_145 : i32
      %mul3A_148 = arith.constant 16 : i32
      %mul3A_149 = arith.muli %add3A_147, %mul3A_148 : i32
      %get3A_150 = arith.index_cast %mul3A_149 : i32 to index
      %get3A_151 = tpu.vector_load %arg12[%get3A_150] {strides = array<i32>} : memref<20000xi32, #tpu.memory_space<vmem>>, vector<16xi32>,
      tpu.vector_store_idx %arg9[%get3A_151], %broadcast_in_dim3A_11 {add = true} : memref<10240xf32, #tpu.memory_space<vmem>>[vector<16xi32>], vector<16xf32>,
      %scan3A_152 = arith.constant 12 : i32
      %scan3A_153 = arith.addi %scan3A_35, %scan3A_152 : i32
      %mul3A_154 = arith.constant 1 : i32
      %mul3A_155 = arith.muli %scan3A_153, %mul3A_154 : i32
      %add3A_156 = arith.constant 0 : i32
      %add3A_157 = arith.addi %add3A_156, %mul3A_155 : i32
      %mul3A_158 = arith.constant 16 : i32
      %mul3A_159 = arith.muli %add3A_157, %mul3A_158 : i32
      %get3A_160 = arith.index_cast %mul3A_159 : i32 to index
      %get3A_161 = tpu.vector_load %arg12[%get3A_160] {strides = array<i32>} : memref<20000xi32, #tpu.memory_space<vmem>>, vector<16xi32>,
      tpu.vector_store_idx %arg9[%get3A_161], %broadcast_in_dim3A_11 {add = true} : memref<10240xf32, #tpu.memory_space<vmem>>[vector<16xi32>], vector<16xf32>,
      %scan3A_162 = arith.constant 13 : i32
      %scan3A_163 = arith.addi %scan3A_35, %scan3A_162 : i32
      %mul3A_164 = arith.constant 1 : i32
      %mul3A_165 = arith.muli %scan3A_163, %mul3A_164 : i32
      %add3A_166 = arith.constant 0 : i32
      %add3A_167 = arith.addi %add3A_166, %mul3A_165 : i32
      %mul3A_168 = arith.constant 16 : i32
      %mul3A_169 = arith.muli %add3A_167, %mul3A_168 : i32
      %get3A_170 = arith.index_cast %mul3A_169 : i32 to index
      %get3A_171 = tpu.vector_load %arg12[%get3A_170] {strides = array<i32>} : memref<20000xi32, #tpu.memory_space<vmem>>, vector<16xi32>,
      tpu.vector_store_idx %arg9[%get3A_171], %broadcast_in_dim3A_11 {add = true} : memref<10240xf32, #tpu.memory_space<vmem>>[vector<16xi32>], vector<16xf32>,
      %scan3A_172 = arith.constant 14 : i32
      %scan3A_173 = arith.addi %scan3A_35, %scan3A_172 : i32
      %mul3A_174 = arith.constant 1 : i32
      %mul3A_175 = arith.muli %scan3A_173, %mul3A_174 : i32
      %add3A_176 = arith.constant 0 : i32
      %add3A_177 = arith.addi %add3A_176, %mul3A_175 : i32
      %mul3A_178 = arith.constant 16 : i32
      %mul3A_179 = arith.muli %add3A_177, %mul3A_178 : i32
      %get3A_180 = arith.index_cast %mul3A_179 : i32 to index
      %get3A_181 = tpu.vector_load %arg12[%get3A_180] {strides = array<i32>} : memref<20000xi32, #tpu.memory_space<vmem>>, vector<16xi32>,
      tpu.vector_store_idx %arg9[%get3A_181], %broadcast_in_dim3A_11 {add = true} : memref<10240xf32, #tpu.memory_space<vmem>>[vector<16xi32>], vector<16xf32>,
      %scan3A_182 = arith.constant 15 : i32
      %scan3A_183 = arith.addi %scan3A_35, %scan3A_182 : i32
      %mul3A_184 = arith.constant 1 : i32
      %mul3A_185 = arith.muli %scan3A_183, %mul3A_184 : i32
      %add3A_186 = arith.constant 0 : i32
      %add3A_187 = arith.addi %add3A_186, %mul3A_185 : i32
      %mul3A_188 = arith.constant 16 : i32
      %mul3A_189 = arith.muli %add3A_187, %mul3A_188 : i32
      %get3A_190 = arith.index_cast %mul3A_189 : i32 to index
      %get3A_191 = tpu.vector_load %arg12[%get3A_190] {strides = array<i32>} : memref<20000xi32, #tpu.memory_space<vmem>>, vector<16xi32>,
      tpu.vector_store_idx %arg9[%get3A_191], %broadcast_in_dim3A_11 {add = true} : memref<10240xf32, #tpu.memory_space<vmem>>[vector<16xi32>], vector<16xf32>,
      %scan3A_192 = arith.constant 16 : i32
      %scan3A_193 = arith.addi %scan3A_35, %scan3A_192 : i32
      %mul3A_194 = arith.constant 1 : i32
      %mul3A_195 = arith.muli %scan3A_193, %mul3A_194 : i32
      %add3A_196 = arith.constant 0 : i32
      %add3A_197 = arith.addi %add3A_196, %mul3A_195 : i32
      %mul3A_198 = arith.constant 16 : i32
      %mul3A_199 = arith.muli %add3A_197, %mul3A_198 : i32
      %get3A_200 = arith.index_cast %mul3A_199 : i32 to index
      %get3A_201 = tpu.vector_load %arg12[%get3A_200] {strides = array<i32>} : memref<20000xi32, #tpu.memory_space<vmem>>, vector<16xi32>,
      tpu.vector_store_idx %arg9[%get3A_201], %broadcast_in_dim3A_11 {add = true} : memref<10240xf32, #tpu.memory_space<vmem>>[vector<16xi32>], vector<16xf32>,
      %scan3A_202 = arith.constant 17 : i32
      %scan3A_203 = arith.addi %scan3A_35, %scan3A_202 : i32
      %mul3A_204 = arith.constant 1 : i32
      %mul3A_205 = arith.muli %scan3A_203, %mul3A_204 : i32
      %add3A_206 = arith.constant 0 : i32
      %add3A_207 = arith.addi %add3A_206, %mul3A_205 : i32
      %mul3A_208 = arith.constant 16 : i32
      %mul3A_209 = arith.muli %add3A_207, %mul3A_208 : i32
      %get3A_210 = arith.index_cast %mul3A_209 : i32 to index
      %get3A_211 = tpu.vector_load %arg12[%get3A_210] {strides = array<i32>} : memref<20000xi32, #tpu.memory_space<vmem>>, vector<16xi32>,
      tpu.vector_store_idx %arg9[%get3A_211], %broadcast_in_dim3A_11 {add = true} : memref<10240xf32, #tpu.memory_space<vmem>>[vector<16xi32>], vector<16xf32>,
      %scan3A_212 = arith.constant 18 : i32
      %scan3A_213 = arith.addi %scan3A_35, %scan3A_212 : i32
      %mul3A_214 = arith.constant 1 : i32
      %mul3A_215 = arith.muli %scan3A_213, %mul3A_214 : i32
      %add3A_216 = arith.constant 0 : i32
      %add3A_217 = arith.addi %add3A_216, %mul3A_215 : i32
      %mul3A_218 = arith.constant 16 : i32
      %mul3A_219 = arith.muli %add3A_217, %mul3A_218 : i32
      %get3A_220 = arith.index_cast %mul3A_219 : i32 to index
      %get3A_221 = tpu.vector_load %arg12[%get3A_220] {strides = array<i32>} : memref<20000xi32, #tpu.memory_space<vmem>>, vector<16xi32>,
      tpu.vector_store_idx %arg9[%get3A_221], %broadcast_in_dim3A_11 {add = true} : memref<10240xf32, #tpu.memory_space<vmem>>[vector<16xi32>], vector<16xf32>,
      %scan3A_222 = arith.constant 19 : i32
      %scan3A_223 = arith.addi %scan3A_35, %scan3A_222 : i32
      %mul3A_224 = arith.constant 1 : i32
      %mul3A_225 = arith.muli %scan3A_223, %mul3A_224 : i32
      %add3A_226 = arith.constant 0 : i32
      %add3A_227 = arith.addi %add3A_226, %mul3A_225 : i32
      %mul3A_228 = arith.constant 16 : i32
      %mul3A_229 = arith.muli %add3A_227, %mul3A_228 : i32
      %get3A_230 = arith.index_cast %mul3A_229 : i32 to index
      %get3A_231 = tpu.vector_load %arg12[%get3A_230] {strides = array<i32>} : memref<20000xi32, #tpu.memory_space<vmem>>, vector<16xi32>,
      tpu.vector_store_idx %arg9[%get3A_231], %broadcast_in_dim3A_11 {add = true} : memref<10240xf32, #tpu.memory_space<vmem>>[vector<16xi32>], vector<16xf32>,
      %scan3A_232 = arith.constant 20 : i32
      %scan3A_233 = arith.addi %scan3A_35, %scan3A_232 : i32
      %mul3A_234 = arith.constant 1 : i32
      %mul3A_235 = arith.muli %scan3A_233, %mul3A_234 : i32
      %add3A_236 = arith.constant 0 : i32
      %add3A_237 = arith.addi %add3A_236, %mul3A_235 : i32
      %mul3A_238 = arith.constant 16 : i32
      %mul3A_239 = arith.muli %add3A_237, %mul3A_238 : i32
      %get3A_240 = arith.index_cast %mul3A_239 : i32 to index
      %get3A_241 = tpu.vector_load %arg12[%get3A_240] {strides = array<i32>} : memref<20000xi32, #tpu.memory_space<vmem>>, vector<16xi32>,
      tpu.vector_store_idx %arg9[%get3A_241], %broadcast_in_dim3A_11 {add = true} : memref<10240xf32, #tpu.memory_space<vmem>>[vector<16xi32>], vector<16xf32>,
      %scan3A_242 = arith.constant 21 : i32
      %scan3A_243 = arith.addi %scan3A_35, %scan3A_242 : i32
      %mul3A_244 = arith.constant 1 : i32
      %mul3A_245 = arith.muli %scan3A_243, %mul3A_244 : i32
      %add3A_246 = arith.constant 0 : i32
      %add3A_247 = arith.addi %add3A_246, %mul3A_245 : i32
      %mul3A_248 = arith.constant 16 : i32
      %mul3A_249 = arith.muli %add3A_247, %mul3A_248 : i32
      %get3A_250 = arith.index_cast %mul3A_249 : i32 to index
      %get3A_251 = tpu.vector_load %arg12[%get3A_250] {strides = array<i32>} : memref<20000xi32, #tpu.memory_space<vmem>>, vector<16xi32>,
      tpu.vector_store_idx %arg9[%get3A_251], %broadcast_in_dim3A_11 {add = true} : memref<10240xf32, #tpu.memory_space<vmem>>[vector<16xi32>], vector<16xf32>,
      %scan3A_252 = arith.constant 22 : i32
      %scan3A_253 = arith.addi %scan3A_35, %scan3A_252 : i32
      %mul3A_254 = arith.constant 1 : i32
      %mul3A_255 = arith.muli %scan3A_253, %mul3A_254 : i32
      %add3A_256 = arith.constant 0 : i32
      %add3A_257 = arith.addi %add3A_256, %mul3A_255 : i32
      %mul3A_258 = arith.constant 16 : i32
      %mul3A_259 = arith.muli %add3A_257, %mul3A_258 : i32
      %get3A_260 = arith.index_cast %mul3A_259 : i32 to index
      %get3A_261 = tpu.vector_load %arg12[%get3A_260] {strides = array<i32>} : memref<20000xi32, #tpu.memory_space<vmem>>, vector<16xi32>,
      tpu.vector_store_idx %arg9[%get3A_261], %broadcast_in_dim3A_11 {add = true} : memref<10240xf32, #tpu.memory_space<vmem>>[vector<16xi32>], vector<16xf32>,
      %scan3A_262 = arith.constant 23 : i32
      %scan3A_263 = arith.addi %scan3A_35, %scan3A_262 : i32
      %mul3A_264 = arith.constant 1 : i32
      %mul3A_265 = arith.muli %scan3A_263, %mul3A_264 : i32
      %add3A_266 = arith.constant 0 : i32
      %add3A_267 = arith.addi %add3A_266, %mul3A_265 : i32
      %mul3A_268 = arith.constant 16 : i32
      %mul3A_269 = arith.muli %add3A_267, %mul3A_268 : i32
      %get3A_270 = arith.index_cast %mul3A_269 : i32 to index
      %get3A_271 = tpu.vector_load %arg12[%get3A_270] {strides = array<i32>} : memref<20000xi32, #tpu.memory_space<vmem>>, vector<16xi32>,
      tpu.vector_store_idx %arg9[%get3A_271], %broadcast_in_dim3A_11 {add = true} : memref<10240xf32, #tpu.memory_space<vmem>>[vector<16xi32>], vector<16xf32>,
      %scan3A_272 = arith.constant 24 : i32
      %scan3A_273 = arith.addi %scan3A_35, %scan3A_272 : i32
      %mul3A_274 = arith.constant 1 : i32
      %mul3A_275 = arith.muli %scan3A_273, %mul3A_274 : i32
      %add3A_276 = arith.constant 0 : i32
      %add3A_277 = arith.addi %add3A_276, %mul3A_275 : i32
      %mul3A_278 = arith.constant 16 : i32
      %mul3A_279 = arith.muli %add3A_277, %mul3A_278 : i32
      %get3A_280 = arith.index_cast %mul3A_279 : i32 to index
      %get3A_281 = tpu.vector_load %arg12[%get3A_280] {strides = array<i32>} : memref<20000xi32, #tpu.memory_space<vmem>>, vector<16xi32>,
      tpu.vector_store_idx %arg9[%get3A_281], %broadcast_in_dim3A_11 {add = true} : memref<10240xf32, #tpu.memory_space<vmem>>[vector<16xi32>], vector<16xf32>,
      %scan3A_282 = arith.constant 25 : i32
      %scan3A_283 = arith.addi %scan3A_35, %scan3A_282 : i32
      %mul3A_284 = arith.constant 1 : i32
      %mul3A_285 = arith.muli %scan3A_283, %mul3A_284 : i32
      %add3A_286 = arith.constant 0 : i32
      %add3A_287 = arith.addi %add3A_286, %mul3A_285 : i32
      %mul3A_288 = arith.constant 16 : i32
      %mul3A_289 = arith.muli %add3A_287, %mul3A_288 : i32
      %get3A_290 = arith.index_cast %mul3A_289 : i32 to index
      %get3A_291 = tpu.vector_load %arg12[%get3A_290] {strides = array<i32>} : memref<20000xi32, #tpu.memory_space<vmem>>, vector<16xi32>,
      tpu.vector_store_idx %arg9[%get3A_291], %broadcast_in_dim3A_11 {add = true} : memref<10240xf32, #tpu.memory_space<vmem>>[vector<16xi32>], vector<16xf32>,
      %scan3A_292 = arith.constant 26 : i32
      %scan3A_293 = arith.addi %scan3A_35, %scan3A_292 : i32
      %mul3A_294 = arith.constant 1 : i32
      %mul3A_295 = arith.muli %scan3A_293, %mul3A_294 : i32
      %add3A_296 = arith.constant 0 : i32
      %add3A_297 = arith.addi %add3A_296, %mul3A_295 : i32
      %mul3A_298 = arith.constant 16 : i32
      %mul3A_299 = arith.muli %add3A_297, %mul3A_298 : i32
      %get3A_300 = arith.index_cast %mul3A_299 : i32 to index
      %get3A_301 = tpu.vector_load %arg12[%get3A_300] {strides = array<i32>} : memref<20000xi32, #tpu.memory_space<vmem>>, vector<16xi32>,
      tpu.vector_store_idx %arg9[%get3A_301], %broadcast_in_dim3A_11 {add = true} : memref<10240xf32, #tpu.memory_space<vmem>>[vector<16xi32>], vector<16xf32>,
      %scan3A_302 = arith.constant 27 : i32
      %scan3A_303 = arith.addi %scan3A_35, %scan3A_302 : i32
      %mul3A_304 = arith.constant 1 : i32
      %mul3A_305 = arith.muli %scan3A_303, %mul3A_304 : i32
      %add3A_306 = arith.constant 0 : i32
      %add3A_307 = arith.addi %add3A_306, %mul3A_305 : i32
      %mul3A_308 = arith.constant 16 : i32
      %mul3A_309 = arith.muli %add3A_307, %mul3A_308 : i32
      %get3A_310 = arith.index_cast %mul3A_309 : i32 to index
      %get3A_311 = tpu.vector_load %arg12[%get3A_310] {strides = array<i32>} : memref<20000xi32, #tpu.memory_space<vmem>>, vector<16xi32>,
      tpu.vector_store_idx %arg9[%get3A_311], %broadcast_in_dim3A_11 {add = true} : memref<10240xf32, #tpu.memory_space<vmem>>[vector<16xi32>], vector<16xf32>,
      %scan3A_312 = arith.constant 28 : i32
      %scan3A_313 = arith.addi %scan3A_35, %scan3A_312 : i32
      %mul3A_314 = arith.constant 1 : i32
      %mul3A_315 = arith.muli %scan3A_313, %mul3A_314 : i32
      %add3A_316 = arith.constant 0 : i32
      %add3A_317 = arith.addi %add3A_316, %mul3A_315 : i32
      %mul3A_318 = arith.constant 16 : i32
      %mul3A_319 = arith.muli %add3A_317, %mul3A_318 : i32
      %get3A_320 = arith.index_cast %mul3A_319 : i32 to index
      %get3A_321 = tpu.vector_load %arg12[%get3A_320] {strides = array<i32>} : memref<20000xi32, #tpu.memory_space<vmem>>, vector<16xi32>,
      tpu.vector_store_idx %arg9[%get3A_321], %broadcast_in_dim3A_11 {add = true} : memref<10240xf32, #tpu.memory_space<vmem>>[vector<16xi32>], vector<16xf32>,
      %scan3A_322 = arith.constant 29 : i32
      %scan3A_323 = arith.addi %scan3A_35, %scan3A_322 : i32
      %mul3A_324 = arith.constant 1 : i32
      %mul3A_325 = arith.muli %scan3A_323, %mul3A_324 : i32
      %add3A_326 = arith.constant 0 : i32
      %add3A_327 = arith.addi %add3A_326, %mul3A_325 : i32
      %mul3A_328 = arith.constant 16 : i32
      %mul3A_329 = arith.muli %add3A_327, %mul3A_328 : i32
      %get3A_330 = arith.index_cast %mul3A_329 : i32 to index
      %get3A_331 = tpu.vector_load %arg12[%get3A_330] {strides = array<i32>} : memref<20000xi32, #tpu.memory_space<vmem>>, vector<16xi32>,
      tpu.vector_store_idx %arg9[%get3A_331], %broadcast_in_dim3A_11 {add = true} : memref<10240xf32, #tpu.memory_space<vmem>>[vector<16xi32>], vector<16xf32>,
      %scan3A_332 = arith.constant 30 : i32
      %scan3A_333 = arith.addi %scan3A_35, %scan3A_332 : i32
      %mul3A_334 = arith.constant 1 : i32
      %mul3A_335 = arith.muli %scan3A_333, %mul3A_334 : i32
      %add3A_336 = arith.constant 0 : i32
      %add3A_337 = arith.addi %add3A_336, %mul3A_335 : i32
      %mul3A_338 = arith.constant 16 : i32
      %mul3A_339 = arith.muli %add3A_337, %mul3A_338 : i32
      %get3A_340 = arith.index_cast %mul3A_339 : i32 to index
      %get3A_341 = tpu.vector_load %arg12[%get3A_340] {strides = array<i32>} : memref<20000xi32, #tpu.memory_space<vmem>>, vector<16xi32>,
      tpu.vector_store_idx %arg9[%get3A_341], %broadcast_in_dim3A_11 {add = true} : memref<10240xf32, #tpu.memory_space<vmem>>[vector<16xi32>], vector<16xf32>,
      %scan3A_342 = arith.constant 31 : i32
      %scan3A_343 = arith.addi %scan3A_35, %scan3A_342 : i32
      %mul3A_344 = arith.constant 1 : i32
      %mul3A_345 = arith.muli %scan3A_343, %mul3A_344 : i32
      %add3A_346 = arith.constant 0 : i32
      %add3A_347 = arith.addi %add3A_346, %mul3A_345 : i32
      %mul3A_348 = arith.constant 16 : i32
      %mul3A_349 = arith.muli %add3A_347, %mul3A_348 : i32
      %get3A_350 = arith.index_cast %mul3A_349 : i32 to index
      %get3A_351 = tpu.vector_load %arg12[%get3A_350] {strides = array<i32>} : memref<20000xi32, #tpu.memory_space<vmem>>, vector<16xi32>,
      tpu.vector_store_idx %arg9[%get3A_351], %broadcast_in_dim3A_11 {add = true} : memref<10240xf32, #tpu.memory_space<vmem>>[vector<16xi32>], vector<16xf32>,
      %scan3A_352 = arith.constant 32 : i32
      %scan3A_353 = arith.addi %scan3A_35, %scan3A_352 : i32
      %mul3A_354 = arith.constant 1 : i32
      %mul3A_355 = arith.muli %scan3A_353, %mul3A_354 : i32
      %add3A_356 = arith.constant 0 : i32
      %add3A_357 = arith.addi %add3A_356, %mul3A_355 : i32
      %mul3A_358 = arith.constant 16 : i32
      %mul3A_359 = arith.muli %add3A_357, %mul3A_358 : i32
      %get3A_360 = arith.index_cast %mul3A_359 : i32 to index
      %get3A_361 = tpu.vector_load %arg12[%get3A_360] {strides = array<i32>} : memref<20000xi32, #tpu.memory_space<vmem>>, vector<16xi32>,
      tpu.vector_store_idx %arg9[%get3A_361], %broadcast_in_dim3A_11 {add = true} : memref<10240xf32, #tpu.memory_space<vmem>>[vector<16xi32>], vector<16xf32>,
      %scan3A_362 = arith.constant 33 : i32
      %scan3A_363 = arith.addi %scan3A_35, %scan3A_362 : i32
      %mul3A_364 = arith.constant 1 : i32
      %mul3A_365 = arith.muli %scan3A_363, %mul3A_364 : i32
      %add3A_366 = arith.constant 0 : i32
      %add3A_367 = arith.addi %add3A_366, %mul3A_365 : i32
      %mul3A_368 = arith.constant 16 : i32
      %mul3A_369 = arith.muli %add3A_367, %mul3A_368 : i32
      %get3A_370 = arith.index_cast %mul3A_369 : i32 to index
      %get3A_371 = tpu.vector_load %arg12[%get3A_370] {strides = array<i32>} : memref<20000xi32, #tpu.memory_space<vmem>>, vector<16xi32>,
      tpu.vector_store_idx %arg9[%get3A_371], %broadcast_in_dim3A_11 {add = true} : memref<10240xf32, #tpu.memory_space<vmem>>[vector<16xi32>], vector<16xf32>,
      %scan3A_372 = arith.constant 34 : i32
      %scan3A_373 = arith.addi %scan3A_35, %scan3A_372 : i32
      %mul3A_374 = arith.constant 1 : i32
      %mul3A_375 = arith.muli %scan3A_373, %mul3A_374 : i32
      %add3A_376 = arith.constant 0 : i32
      %add3A_377 = arith.addi %add3A_376, %mul3A_375 : i32
      %mul3A_378 = arith.constant 16 : i32
      %mul3A_379 = arith.muli %add3A_377, %mul3A_378 : i32
      %get3A_380 = arith.index_cast %mul3A_379 : i32 to index
      %get3A_381 = tpu.vector_load %arg12[%get3A_380] {strides = array<i32>} : memref<20000xi32, #tpu.memory_space<vmem>>, vector<16xi32>,
      tpu.vector_store_idx %arg9[%get3A_381], %broadcast_in_dim3A_11 {add = true} : memref<10240xf32, #tpu.memory_space<vmem>>[vector<16xi32>], vector<16xf32>,
      %scan3A_382 = arith.constant 35 : i32
      %scan3A_383 = arith.addi %scan3A_35, %scan3A_382 : i32
      %mul3A_384 = arith.constant 1 : i32
      %mul3A_385 = arith.muli %scan3A_383, %mul3A_384 : i32
      %add3A_386 = arith.constant 0 : i32
      %add3A_387 = arith.addi %add3A_386, %mul3A_385 : i32
      %mul3A_388 = arith.constant 16 : i32
      %mul3A_389 = arith.muli %add3A_387, %mul3A_388 : i32
      %get3A_390 = arith.index_cast %mul3A_389 : i32 to index
      %get3A_391 = tpu.vector_load %arg12[%get3A_390] {strides = array<i32>} : memref<20000xi32, #tpu.memory_space<vmem>>, vector<16xi32>,
      tpu.vector_store_idx %arg9[%get3A_391], %broadcast_in_dim3A_11 {add = true} : memref<10240xf32, #tpu.memory_space<vmem>>[vector<16xi32>], vector<16xf32>,
      %scan3A_392 = arith.constant 36 : i32
      %scan3A_393 = arith.addi %scan3A_35, %scan3A_392 : i32
      %mul3A_394 = arith.constant 1 : i32
      %mul3A_395 = arith.muli %scan3A_393, %mul3A_394 : i32
      %add3A_396 = arith.constant 0 : i32
      %add3A_397 = arith.addi %add3A_396, %mul3A_395 : i32
      %mul3A_398 = arith.constant 16 : i32
      %mul3A_399 = arith.muli %add3A_397, %mul3A_398 : i32
      %get3A_400 = arith.index_cast %mul3A_399 : i32 to index
      %get3A_401 = tpu.vector_load %arg12[%get3A_400] {strides = array<i32>} : memref<20000xi32, #tpu.memory_space<vmem>>, vector<16xi32>,
      tpu.vector_store_idx %arg9[%get3A_401], %broadcast_in_dim3A_11 {add = true} : memref<10240xf32, #tpu.memory_space<vmem>>[vector<16xi32>], vector<16xf32>,
      %scan3A_402 = arith.constant 37 : i32
      %scan3A_403 = arith.addi %scan3A_35, %scan3A_402 : i32
      %mul3A_404 = arith.constant 1 : i32
      %mul3A_405 = arith.muli %scan3A_403, %mul3A_404 : i32
      %add3A_406 = arith.constant 0 : i32
      %add3A_407 = arith.addi %add3A_406, %mul3A_405 : i32
      %mul3A_408 = arith.constant 16 : i32
      %mul3A_409 = arith.muli %add3A_407, %mul3A_408 : i32
      %get3A_410 = arith.index_cast %mul3A_409 : i32 to index
      %get3A_411 = tpu.vector_load %arg12[%get3A_410] {strides = array<i32>} : memref<20000xi32, #tpu.memory_space<vmem>>, vector<16xi32>,
      tpu.vector_store_idx %arg9[%get3A_411], %broadcast_in_dim3A_11 {add = true} : memref<10240xf32, #tpu.memory_space<vmem>>[vector<16xi32>], vector<16xf32>,
      %scan3A_412 = arith.constant 38 : i32
      %scan3A_413 = arith.addi %scan3A_35, %scan3A_412 : i32
      %mul3A_414 = arith.constant 1 : i32
      %mul3A_415 = arith.muli %scan3A_413, %mul3A_414 : i32
      %add3A_416 = arith.constant 0 : i32
      %add3A_417 = arith.addi %add3A_416, %mul3A_415 : i32
      %mul3A_418 = arith.constant 16 : i32
      %mul3A_419 = arith.muli %add3A_417, %mul3A_418 : i32
      %get3A_420 = arith.index_cast %mul3A_419 : i32 to index
      %get3A_421 = tpu.vector_load %arg12[%get3A_420] {strides = array<i32>} : memref<20000xi32, #tpu.memory_space<vmem>>, vector<16xi32>,
      tpu.vector_store_idx %arg9[%get3A_421], %broadcast_in_dim3A_11 {add = true} : memref<10240xf32, #tpu.memory_space<vmem>>[vector<16xi32>], vector<16xf32>,
      %scan3A_422 = arith.constant 39 : i32
      %scan3A_423 = arith.addi %scan3A_35, %scan3A_422 : i32
      %mul3A_424 = arith.constant 1 : i32
      %mul3A_425 = arith.muli %scan3A_423, %mul3A_424 : i32
      %add3A_426 = arith.constant 0 : i32
      %add3A_427 = arith.addi %add3A_426, %mul3A_425 : i32
      %mul3A_428 = arith.constant 16 : i32
      %mul3A_429 = arith.muli %add3A_427, %mul3A_428 : i32
      %get3A_430 = arith.index_cast %mul3A_429 : i32 to index
      %get3A_431 = tpu.vector_load %arg12[%get3A_430] {strides = array<i32>} : memref<20000xi32, #tpu.memory_space<vmem>>, vector<16xi32>,
      tpu.vector_store_idx %arg9[%get3A_431], %broadcast_in_dim3A_11 {add = true} : memref<10240xf32, #tpu.memory_space<vmem>>[vector<16xi32>], vector<16xf32>,
      %scan3A_432 = arith.constant 40 : i32
      %scan3A_433 = arith.addi %scan3A_35, %scan3A_432 : i32
      %mul3A_434 = arith.constant 1 : i32
      %mul3A_435 = arith.muli %scan3A_433, %mul3A_434 : i32
      %add3A_436 = arith.constant 0 : i32
      %add3A_437 = arith.addi %add3A_436, %mul3A_435 : i32
      %mul3A_438 = arith.constant 16 : i32
      %mul3A_439 = arith.muli %add3A_437, %mul3A_438 : i32
      %get3A_440 = arith.index_cast %mul3A_439 : i32 to index
      %get3A_441 = tpu.vector_load %arg12[%get3A_440] {strides = array<i32>} : memref<20000xi32, #tpu.memory_space<vmem>>, vector<16xi32>,
      tpu.vector_store_idx %arg9[%get3A_441], %broadcast_in_dim3A_11 {add = true} : memref<10240xf32, #tpu.memory_space<vmem>>[vector<16xi32>], vector<16xf32>,
      %scan3A_442 = arith.constant 41 : i32
      %scan3A_443 = arith.addi %scan3A_35, %scan3A_442 : i32
      %mul3A_444 = arith.constant 1 : i32
      %mul3A_445 = arith.muli %scan3A_443, %mul3A_444 : i32
      %add3A_446 = arith.constant 0 : i32
      %add3A_447 = arith.addi %add3A_446, %mul3A_445 : i32
      %mul3A_448 = arith.constant 16 : i32
      %mul3A_449 = arith.muli %add3A_447, %mul3A_448 : i32
      %get3A_450 = arith.index_cast %mul3A_449 : i32 to index
      %get3A_451 = tpu.vector_load %arg12[%get3A_450] {strides = array<i32>} : memref<20000xi32, #tpu.memory_space<vmem>>, vector<16xi32>,
      tpu.vector_store_idx %arg9[%get3A_451], %broadcast_in_dim3A_11 {add = true} : memref<10240xf32, #tpu.memory_space<vmem>>[vector<16xi32>], vector<16xf32>,
      %scan3A_452 = arith.constant 42 : i32
      %scan3A_453 = arith.addi %scan3A_35, %scan3A_452 : i32
      %mul3A_454 = arith.constant 1 : i32
      %mul3A_455 = arith.muli %scan3A_453, %mul3A_454 : i32
      %add3A_456 = arith.constant 0 : i32
      %add3A_457 = arith.addi %add3A_456, %mul3A_455 : i32
      %mul3A_458 = arith.constant 16 : i32
      %mul3A_459 = arith.muli %add3A_457, %mul3A_458 : i32
      %get3A_460 = arith.index_cast %mul3A_459 : i32 to index
      %get3A_461 = tpu.vector_load %arg12[%get3A_460] {strides = array<i32>} : memref<20000xi32, #tpu.memory_space<vmem>>, vector<16xi32>,
      tpu.vector_store_idx %arg9[%get3A_461], %broadcast_in_dim3A_11 {add = true} : memref<10240xf32, #tpu.memory_space<vmem>>[vector<16xi32>], vector<16xf32>,
      %scan3A_462 = arith.constant 43 : i32
      %scan3A_463 = arith.addi %scan3A_35, %scan3A_462 : i32
      %mul3A_464 = arith.constant 1 : i32
      %mul3A_465 = arith.muli %scan3A_463, %mul3A_464 : i32
      %add3A_466 = arith.constant 0 : i32
      %add3A_467 = arith.addi %add3A_466, %mul3A_465 : i32
      %mul3A_468 = arith.constant 16 : i32
      %mul3A_469 = arith.muli %add3A_467, %mul3A_468 : i32
      %get3A_470 = arith.index_cast %mul3A_469 : i32 to index
      %get3A_471 = tpu.vector_load %arg12[%get3A_470] {strides = array<i32>} : memref<20000xi32, #tpu.memory_space<vmem>>, vector<16xi32>,
      tpu.vector_store_idx %arg9[%get3A_471], %broadcast_in_dim3A_11 {add = true} : memref<10240xf32, #tpu.memory_space<vmem>>[vector<16xi32>], vector<16xf32>,
      %scan3A_472 = arith.constant 44 : i32
      %scan3A_473 = arith.addi %scan3A_35, %scan3A_472 : i32
      %mul3A_474 = arith.constant 1 : i32
      %mul3A_475 = arith.muli %scan3A_473, %mul3A_474 : i32
      %add3A_476 = arith.constant 0 : i32
      %add3A_477 = arith.addi %add3A_476, %mul3A_475 : i32
      %mul3A_478 = arith.constant 16 : i32
      %mul3A_479 = arith.muli %add3A_477, %mul3A_478 : i32
      %get3A_480 = arith.index_cast %mul3A_479 : i32 to index
      %get3A_481 = tpu.vector_load %arg12[%get3A_480] {strides = array<i32>} : memref<20000xi32, #tpu.memory_space<vmem>>, vector<16xi32>,
      tpu.vector_store_idx %arg9[%get3A_481], %broadcast_in_dim3A_11 {add = true} : memref<10240xf32, #tpu.memory_space<vmem>>[vector<16xi32>], vector<16xf32>,
      %scan3A_482 = arith.constant 45 : i32
      %scan3A_483 = arith.addi %scan3A_35, %scan3A_482 : i32
      %mul3A_484 = arith.constant 1 : i32
      %mul3A_485 = arith.muli %scan3A_483, %mul3A_484 : i32
      %add3A_486 = arith.constant 0 : i32
      %add3A_487 = arith.addi %add3A_486, %mul3A_485 : i32
      %mul3A_488 = arith.constant 16 : i32
      %mul3A_489 = arith.muli %add3A_487, %mul3A_488 : i32
      %get3A_490 = arith.index_cast %mul3A_489 : i32 to index
      %get3A_491 = tpu.vector_load %arg12[%get3A_490] {strides = array<i32>} : memref<20000xi32, #tpu.memory_space<vmem>>, vector<16xi32>,
      tpu.vector_store_idx %arg9[%get3A_491], %broadcast_in_dim3A_11 {add = true} : memref<10240xf32, #tpu.memory_space<vmem>>[vector<16xi32>], vector<16xf32>,
      %scan3A_492 = arith.constant 46 : i32
      %scan3A_493 = arith.addi %scan3A_35, %scan3A_492 : i32
      %mul3A_494 = arith.constant 1 : i32
      %mul3A_495 = arith.muli %scan3A_493, %mul3A_494 : i32
      %add3A_496 = arith.constant 0 : i32
      %add3A_497 = arith.addi %add3A_496, %mul3A_495 : i32
      %mul3A_498 = arith.constant 16 : i32
      %mul3A_499 = arith.muli %add3A_497, %mul3A_498 : i32
      %get3A_500 = arith.index_cast %mul3A_499 : i32 to index
      %get3A_501 = tpu.vector_load %arg12[%get3A_500] {strides = array<i32>} : memref<20000xi32, #tpu.memory_space<vmem>>, vector<16xi32>,
      tpu.vector_store_idx %arg9[%get3A_501], %broadcast_in_dim3A_11 {add = true} : memref<10240xf32, #tpu.memory_space<vmem>>[vector<16xi32>], vector<16xf32>,
      %scan3A_502 = arith.constant 47 : i32
      %scan3A_503 = arith.addi %scan3A_35, %scan3A_502 : i32
      %mul3A_504 = arith.constant 1 : i32
      %mul3A_505 = arith.muli %scan3A_503, %mul3A_504 : i32
      %add3A_506 = arith.constant 0 : i32
      %add3A_507 = arith.addi %add3A_506, %mul3A_505 : i32
      %mul3A_508 = arith.constant 16 : i32
      %mul3A_509 = arith.muli %add3A_507, %mul3A_508 : i32
      %get3A_510 = arith.index_cast %mul3A_509 : i32 to index
      %get3A_511 = tpu.vector_load %arg12[%get3A_510] {strides = array<i32>} : memref<20000xi32, #tpu.memory_space<vmem>>, vector<16xi32>,
      tpu.vector_store_idx %arg9[%get3A_511], %broadcast_in_dim3A_11 {add = true} : memref<10240xf32, #tpu.memory_space<vmem>>[vector<16xi32>], vector<16xf32>,
      %scan3A_512 = arith.constant 48 : i32
      %scan3A_513 = arith.addi %scan3A_35, %scan3A_512 : i32
      %mul3A_514 = arith.constant 1 : i32
      %mul3A_515 = arith.muli %scan3A_513, %mul3A_514 : i32
      %add3A_516 = arith.constant 0 : i32
      %add3A_517 = arith.addi %add3A_516, %mul3A_515 : i32
      %mul3A_518 = arith.constant 16 : i32
      %mul3A_519 = arith.muli %add3A_517, %mul3A_518 : i32
      %get3A_520 = arith.index_cast %mul3A_519 : i32 to index
      %get3A_521 = tpu.vector_load %arg12[%get3A_520] {strides = array<i32>} : memref<20000xi32, #tpu.memory_space<vmem>>, vector<16xi32>,
      tpu.vector_store_idx %arg9[%get3A_521], %broadcast_in_dim3A_11 {add = true} : memref<10240xf32, #tpu.memory_space<vmem>>[vector<16xi32>], vector<16xf32>,
      %scan3A_522 = arith.constant 49 : i32
      %scan3A_523 = arith.addi %scan3A_35, %scan3A_522 : i32
      %mul3A_524 = arith.constant 1 : i32
      %mul3A_525 = arith.muli %scan3A_523, %mul3A_524 : i32
      %add3A_526 = arith.constant 0 : i32
      %add3A_527 = arith.addi %add3A_526, %mul3A_525 : i32
      %mul3A_528 = arith.constant 16 : i32
      %mul3A_529 = arith.muli %add3A_527, %mul3A_528 : i32
      %get3A_530 = arith.index_cast %mul3A_529 : i32 to index
      %get3A_531 = tpu.vector_load %arg12[%get3A_530] {strides = array<i32>} : memref<20000xi32, #tpu.memory_space<vmem>>, vector<16xi32>,
      tpu.vector_store_idx %arg9[%get3A_531], %broadcast_in_dim3A_11 {add = true} : memref<10240xf32, #tpu.memory_space<vmem>>[vector<16xi32>], vector<16xf32>,
    }
    %scan3A_16 = arith.constant 1250 : i32
    "tpu.region"() ({
      %run_scoped3A = tpu.sem_alloc : memref<!tpu.dma_semaphore, #tpu.memory_space<semaphore_mem>>
      %dma_start3A = arith.constant 0 : i32
      %dma_start3A_35 = tpu.memref_slice %arg8[%arg1, %dma_start3A] : memref<16x10240xf32, #tpu.memory_space<hbm>> -> memref<1x10240xf32, #tpu.memory_space<hbm>>
      %dma_start3A_36 = tpu.memref_squeeze %dma_start3A_35 : memref<1x10240xf32, #tpu.memory_space<hbm>> -> memref<10240xf32, #tpu.memory_space<hbm>>
      %dma_start3A_37 = arith.constant 0 : i32
      %dma_start3A_38 = tpu.memref_slice %arg8[%arg1, %dma_start3A_37] : memref<16x10240xf32, #tpu.memory_space<hbm>> -> memref<1x10240xf32, #tpu.memory_space<hbm>>
      %dma_start3A_39 = tpu.memref_squeeze %dma_start3A_38 : memref<1x10240xf32, #tpu.memory_space<hbm>> -> memref<10240xf32, #tpu.memory_space<hbm>>
      tpu.enqueue_dma source(%arg9 : memref<10240xf32, #tpu.memory_space<vmem>>) target(%dma_start3A_39 : memref<10240xf32, #tpu.memory_space<hbm>>) target_semaphore(%run_scoped3A : memref<!tpu.dma_semaphore, #tpu.memory_space<semaphore_mem>>)
      %dma_wait3A = arith.constant 0 : i32
      %dma_wait3A_40 = tpu.memref_slice %arg8[%arg1, %dma_wait3A] : memref<16x10240xf32, #tpu.memory_space<hbm>> -> memref<1x10240xf32, #tpu.memory_space<hbm>>
      %dma_wait3A_41 = tpu.memref_squeeze %dma_wait3A_40 : memref<1x10240xf32, #tpu.memory_space<hbm>> -> memref<10240xf32, #tpu.memory_space<hbm>>
      %dma_wait3A_42 = arith.constant 0 : i32
      %dma_wait3A_43 = tpu.memref_slice %arg8[%arg1, %dma_wait3A_42] : memref<16x10240xf32, #tpu.memory_space<hbm>> -> memref<1x10240xf32, #tpu.memory_space<hbm>>
      %dma_wait3A_44 = tpu.memref_squeeze %dma_wait3A_43 : memref<1x10240xf32, #tpu.memory_space<hbm>> -> memref<10240xf32, #tpu.memory_space<hbm>>
      tpu.wait_dma2 semaphore(%run_scoped3A : memref<!tpu.dma_semaphore, #tpu.memory_space<semaphore_mem>>) src(%arg9 : memref<10240xf32, #tpu.memory_space<vmem>>) dst(%dma_wait3A_44 : memref<10240xf32, #tpu.memory_space<hbm>>)
      tpu.yield
    }) : () -> ()
    %barrier3A = arith.constant 0 : index
    tpu.barrier barrier_id(%barrier3A)
    "tpu.region"() ({
      %run_scoped3A = tpu.sem_alloc : memref<!tpu.dma_semaphore, #tpu.memory_space<semaphore_mem>>
      %dma_start3A = arith.constant 0 : i32
      %dma_start3A_35 = tpu.memref_slice %arg8[%dma_start3A, %mul3A_0] : memref<16x10240xf32, #tpu.memory_space<hbm>> -> memref<16x640xf32, #tpu.memory_space<hbm>>
      %dma_start3A_36 = arith.constant 0 : i32
      %dma_start3A_37 = tpu.memref_slice %arg8[%dma_start3A_36, %mul3A_0] : memref<16x10240xf32, #tpu.memory_space<hbm>> -> memref<16x640xf32, #tpu.memory_space<hbm>>
      tpu.enqueue_dma source(%dma_start3A_37 : memref<16x640xf32, #tpu.memory_space<hbm>>) target(%arg13 : memref<16x640xf32, #tpu.memory_space<vmem>>) target_semaphore(%run_scoped3A : memref<!tpu.dma_semaphore, #tpu.memory_space<semaphore_mem>>)
      %dma_wait3A = arith.constant 0 : i32
      %dma_wait3A_38 = tpu.memref_slice %arg8[%dma_wait3A, %mul3A_0] : memref<16x10240xf32, #tpu.memory_space<hbm>> -> memref<16x640xf32, #tpu.memory_space<hbm>>
      %dma_wait3A_39 = arith.constant 0 : i32
      %dma_wait3A_40 = tpu.memref_slice %arg8[%dma_wait3A_39, %mul3A_0] : memref<16x10240xf32, #tpu.memory_space<hbm>> -> memref<16x640xf32, #tpu.memory_space<hbm>>
      tpu.wait_dma2 semaphore(%run_scoped3A : memref<!tpu.dma_semaphore, #tpu.memory_space<semaphore_mem>>) src(%dma_wait3A_40 : memref<16x640xf32, #tpu.memory_space<hbm>>) dst(%arg13 : memref<16x640xf32, #tpu.memory_space<vmem>>)
      tpu.yield
    }) : () -> ()
    "tpu.region"() ({
      %run_scoped3A = tpu.sem_alloc : memref<!tpu.dma_semaphore, #tpu.memory_space<semaphore_mem>>
      %dma_start3A = tpu.memref_slice %arg4[%mul3A_0] : memref<10240xf32, #tpu.memory_space<hbm>> -> memref<640xf32, #tpu.memory_space<hbm>>
      %dma_start3A_35 = tpu.memref_slice %arg4[%mul3A_0] : memref<10240xf32, #tpu.memory_space<hbm>> -> memref<640xf32, #tpu.memory_space<hbm>>
      tpu.enqueue_dma source(%dma_start3A_35 : memref<640xf32, #tpu.memory_space<hbm>>) target(%arg14 : memref<640xf32, #tpu.memory_space<vmem>>) target_semaphore(%run_scoped3A : memref<!tpu.dma_semaphore, #tpu.memory_space<semaphore_mem>>)
      %dma_wait3A = tpu.memref_slice %arg4[%mul3A_0] : memref<10240xf32, #tpu.memory_space<hbm>> -> memref<640xf32, #tpu.memory_space<hbm>>
      %dma_wait3A_36 = tpu.memref_slice %arg4[%mul3A_0] : memref<10240xf32, #tpu.memory_space<hbm>> -> memref<640xf32, #tpu.memory_space<hbm>>
      tpu.wait_dma2 semaphore(%run_scoped3A : memref<!tpu.dma_semaphore, #tpu.memory_space<semaphore_mem>>) src(%dma_wait3A_36 : memref<640xf32, #tpu.memory_space<hbm>>) dst(%arg14 : memref<640xf32, #tpu.memory_space<vmem>>)
      tpu.yield
    }) : () -> ()
    %scan3A_17 = arith.constant 0 : i32
    %scan3A_18 = arith.constant 40 : i32
    %scan3A_19 = arith.addi %scan3A_17, %scan3A_18 : i32
    %scan3A_20 = arith.constant 1 : i32
    scf.for %scan3A_35 = %scan3A_17 to %scan3A_19 step %scan3A_20  : i32 {
      %mul3A_36 = arith.constant 1 : i32
      %mul3A_37 = arith.muli %scan3A_35, %mul3A_36 : i32
      %add3A = arith.constant 0 : i32
      %add3A_38 = arith.addi %add3A, %mul3A_37 : i32
      %mul3A_39 = arith.constant 16 : i32
      %mul3A_40 = arith.muli %add3A_38, %mul3A_39 : i32
      %get3A = arith.constant 0 : i32
      %get3A_41 = arith.index_cast %get3A : i32 to index
      %get3A_42 = arith.index_cast %mul3A_40 : i32 to index
      %get3A_43 = tpu.vector_load %arg13[%get3A_41, %get3A_42] {strides = array<i32>} : memref<16x640xf32, #tpu.memory_space<vmem>>, vector<16xf32>,
      %get3A_44 = arith.constant 1 : i32
      %get3A_45 = arith.index_cast %get3A_44 : i32 to index
      %get3A_46 = arith.index_cast %mul3A_40 : i32 to index
      %get3A_47 = tpu.vector_load %arg13[%get3A_45, %get3A_46] {strides = array<i32>} : memref<16x640xf32, #tpu.memory_space<vmem>>, vector<16xf32>,
      %add3A_48 = arith.addf %get3A_43, %get3A_47 : vector<16xf32>
      %get3A_49 = arith.constant 2 : i32
      %get3A_50 = arith.index_cast %get3A_49 : i32 to index
      %get3A_51 = arith.index_cast %mul3A_40 : i32 to index
      %get3A_52 = tpu.vector_load %arg13[%get3A_50, %get3A_51] {strides = array<i32>} : memref<16x640xf32, #tpu.memory_space<vmem>>, vector<16xf32>,
      %add3A_53 = arith.addf %add3A_48, %get3A_52 : vector<16xf32>
      %get3A_54 = arith.constant 3 : i32
      %get3A_55 = arith.index_cast %get3A_54 : i32 to index
      %get3A_56 = arith.index_cast %mul3A_40 : i32 to index
      %get3A_57 = tpu.vector_load %arg13[%get3A_55, %get3A_56] {strides = array<i32>} : memref<16x640xf32, #tpu.memory_space<vmem>>, vector<16xf32>,
      %add3A_58 = arith.addf %add3A_53, %get3A_57 : vector<16xf32>
      %get3A_59 = arith.constant 4 : i32
      %get3A_60 = arith.index_cast %get3A_59 : i32 to index
      %get3A_61 = arith.index_cast %mul3A_40 : i32 to index
      %get3A_62 = tpu.vector_load %arg13[%get3A_60, %get3A_61] {strides = array<i32>} : memref<16x640xf32, #tpu.memory_space<vmem>>, vector<16xf32>,
      %add3A_63 = arith.addf %add3A_58, %get3A_62 : vector<16xf32>
      %get3A_64 = arith.constant 5 : i32
      %get3A_65 = arith.index_cast %get3A_64 : i32 to index
      %get3A_66 = arith.index_cast %mul3A_40 : i32 to index
      %get3A_67 = tpu.vector_load %arg13[%get3A_65, %get3A_66] {strides = array<i32>} : memref<16x640xf32, #tpu.memory_space<vmem>>, vector<16xf32>,
      %add3A_68 = arith.addf %add3A_63, %get3A_67 : vector<16xf32>
      %get3A_69 = arith.constant 6 : i32
      %get3A_70 = arith.index_cast %get3A_69 : i32 to index
      %get3A_71 = arith.index_cast %mul3A_40 : i32 to index
      %get3A_72 = tpu.vector_load %arg13[%get3A_70, %get3A_71] {strides = array<i32>} : memref<16x640xf32, #tpu.memory_space<vmem>>, vector<16xf32>,
      %add3A_73 = arith.addf %add3A_68, %get3A_72 : vector<16xf32>
      %get3A_74 = arith.constant 7 : i32
      %get3A_75 = arith.index_cast %get3A_74 : i32 to index
      %get3A_76 = arith.index_cast %mul3A_40 : i32 to index
      %get3A_77 = tpu.vector_load %arg13[%get3A_75, %get3A_76] {strides = array<i32>} : memref<16x640xf32, #tpu.memory_space<vmem>>, vector<16xf32>,
      %add3A_78 = arith.addf %add3A_73, %get3A_77 : vector<16xf32>
      %get3A_79 = arith.constant 8 : i32
      %get3A_80 = arith.index_cast %get3A_79 : i32 to index
      %get3A_81 = arith.index_cast %mul3A_40 : i32 to index
      %get3A_82 = tpu.vector_load %arg13[%get3A_80, %get3A_81] {strides = array<i32>} : memref<16x640xf32, #tpu.memory_space<vmem>>, vector<16xf32>,
      %add3A_83 = arith.addf %add3A_78, %get3A_82 : vector<16xf32>
      %get3A_84 = arith.constant 9 : i32
      %get3A_85 = arith.index_cast %get3A_84 : i32 to index
      %get3A_86 = arith.index_cast %mul3A_40 : i32 to index
      %get3A_87 = tpu.vector_load %arg13[%get3A_85, %get3A_86] {strides = array<i32>} : memref<16x640xf32, #tpu.memory_space<vmem>>, vector<16xf32>,
      %add3A_88 = arith.addf %add3A_83, %get3A_87 : vector<16xf32>
      %get3A_89 = arith.constant 10 : i32
      %get3A_90 = arith.index_cast %get3A_89 : i32 to index
      %get3A_91 = arith.index_cast %mul3A_40 : i32 to index
      %get3A_92 = tpu.vector_load %arg13[%get3A_90, %get3A_91] {strides = array<i32>} : memref<16x640xf32, #tpu.memory_space<vmem>>, vector<16xf32>,
      %add3A_93 = arith.addf %add3A_88, %get3A_92 : vector<16xf32>
      %get3A_94 = arith.constant 11 : i32
      %get3A_95 = arith.index_cast %get3A_94 : i32 to index
      %get3A_96 = arith.index_cast %mul3A_40 : i32 to index
      %get3A_97 = tpu.vector_load %arg13[%get3A_95, %get3A_96] {strides = array<i32>} : memref<16x640xf32, #tpu.memory_space<vmem>>, vector<16xf32>,
      %add3A_98 = arith.addf %add3A_93, %get3A_97 : vector<16xf32>
      %get3A_99 = arith.constant 12 : i32
      %get3A_100 = arith.index_cast %get3A_99 : i32 to index
      %get3A_101 = arith.index_cast %mul3A_40 : i32 to index
      %get3A_102 = tpu.vector_load %arg13[%get3A_100, %get3A_101] {strides = array<i32>} : memref<16x640xf32, #tpu.memory_space<vmem>>, vector<16xf32>,
      %add3A_103 = arith.addf %add3A_98, %get3A_102 : vector<16xf32>
      %get3A_104 = arith.constant 13 : i32
      %get3A_105 = arith.index_cast %get3A_104 : i32 to index
      %get3A_106 = arith.index_cast %mul3A_40 : i32 to index
      %get3A_107 = tpu.vector_load %arg13[%get3A_105, %get3A_106] {strides = array<i32>} : memref<16x640xf32, #tpu.memory_space<vmem>>, vector<16xf32>,
      %add3A_108 = arith.addf %add3A_103, %get3A_107 : vector<16xf32>
      %get3A_109 = arith.constant 14 : i32
      %get3A_110 = arith.index_cast %get3A_109 : i32 to index
      %get3A_111 = arith.index_cast %mul3A_40 : i32 to index
      %get3A_112 = tpu.vector_load %arg13[%get3A_110, %get3A_111] {strides = array<i32>} : memref<16x640xf32, #tpu.memory_space<vmem>>, vector<16xf32>,
      %add3A_113 = arith.addf %add3A_108, %get3A_112 : vector<16xf32>
      %get3A_114 = arith.constant 15 : i32
      %get3A_115 = arith.index_cast %get3A_114 : i32 to index
      %get3A_116 = arith.index_cast %mul3A_40 : i32 to index
      %get3A_117 = tpu.vector_load %arg13[%get3A_115, %get3A_116] {strides = array<i32>} : memref<16x640xf32, #tpu.memory_space<vmem>>, vector<16xf32>,
      %add3A_118 = arith.addf %add3A_113, %get3A_117 : vector<16xf32>
      %add3A_119 = arith.constant 1.000000e+00 : f32
      %add3A_120 = vector.broadcast %add3A_119 : f32 to vector<16xf32>
      %add3A_121 = arith.addf %add3A_118, %add3A_120 : vector<16xf32>
      %bitcast3A = vector.bitcast %add3A_121 : vector<16xf32> to vector<16xi32>
      %shift_right_logical3A = arith.constant 1 : i32
      %shift_right_logical3A_122 = vector.broadcast %shift_right_logical3A : i32 to vector<16xi32>
      %shift_right_logical3A_123 = arith.shrui %bitcast3A, %shift_right_logical3A_122 : vector<16xi32>
      %sub3A = arith.constant 1597463007 : i32
      %sub3A_124 = vector.broadcast %sub3A : i32 to vector<16xi32>
      %sub3A_125 = arith.subi %sub3A_124, %shift_right_logical3A_123 : vector<16xi32>
      %bitcast3A_126 = vector.bitcast %sub3A_125 : vector<16xi32> to vector<16xf32>
      %mul3A_127 = arith.constant 5.000000e-01 : f32
      %mul3A_128 = vector.broadcast %mul3A_127 : f32 to vector<16xf32>
      %mul3A_129 = arith.mulf %add3A_121, %mul3A_128 : vector<16xf32>
      %mul3A_130 = arith.mulf %mul3A_129, %bitcast3A_126 : vector<16xf32>
      %mul3A_131 = arith.mulf %mul3A_130, %bitcast3A_126 : vector<16xf32>
      %sub3A_132 = arith.constant 1.500000e+00 : f32
      %sub3A_133 = vector.broadcast %sub3A_132 : f32 to vector<16xf32>
      %sub3A_134 = arith.subf %sub3A_133, %mul3A_131 : vector<16xf32>
      %mul3A_135 = arith.mulf %bitcast3A_126, %sub3A_134 : vector<16xf32>
      %mul3A_136 = arith.mulf %mul3A_129, %mul3A_135 : vector<16xf32>
      %mul3A_137 = arith.mulf %mul3A_136, %mul3A_135 : vector<16xf32>
      %sub3A_138 = arith.constant 1.500000e+00 : f32
      %sub3A_139 = vector.broadcast %sub3A_138 : f32 to vector<16xf32>
      %sub3A_140 = arith.subf %sub3A_139, %mul3A_137 : vector<16xf32>
      %mul3A_141 = arith.mulf %mul3A_135, %sub3A_140 : vector<16xf32>
      %mul3A_142 = arith.mulf %mul3A_129, %mul3A_141 : vector<16xf32>
      %mul3A_143 = arith.mulf %mul3A_142, %mul3A_141 : vector<16xf32>
      %sub3A_144 = arith.constant 1.500000e+00 : f32
      %sub3A_145 = vector.broadcast %sub3A_144 : f32 to vector<16xf32>
      %sub3A_146 = arith.subf %sub3A_145, %mul3A_143 : vector<16xf32>
      %mul3A_147 = arith.mulf %mul3A_141, %sub3A_146 : vector<16xf32>
      %swap3A = arith.index_cast %mul3A_40 : i32 to index
      %swap3A_148 = tpu.vector_load %arg15[%swap3A] {strides = array<i32>} : memref<640xf32, #tpu.memory_space<vmem>>, vector<16xf32>,
      tpu.vector_store %arg15[%swap3A], %mul3A_147 {strides = array<i32>} : memref<640xf32, #tpu.memory_space<vmem>>, vector<16xf32>,
      %get3A_149 = arith.index_cast %mul3A_40 : i32 to index
      %get3A_150 = tpu.vector_load %arg14[%get3A_149] {strides = array<i32>} : memref<640xf32, #tpu.memory_space<vmem>>, vector<16xf32>,
      %mul3A_151 = arith.mulf %get3A_150, %mul3A_147 : vector<16xf32>
      %swap3A_152 = arith.index_cast %mul3A_40 : i32 to index
      %swap3A_153 = tpu.vector_load %arg14[%swap3A_152] {strides = array<i32>} : memref<640xf32, #tpu.memory_space<vmem>>, vector<16xf32>,
      tpu.vector_store %arg14[%swap3A_152], %mul3A_151 {strides = array<i32>} : memref<640xf32, #tpu.memory_space<vmem>>, vector<16xf32>,
    }
    %scan3A_21 = arith.constant 40 : i32
    "tpu.region"() ({
      %run_scoped3A = tpu.sem_alloc : memref<!tpu.dma_semaphore, #tpu.memory_space<semaphore_mem>>
      %dma_start3A = tpu.memref_slice %arg5[%mul3A_0] : memref<10240xf32, #tpu.memory_space<hbm>> -> memref<640xf32, #tpu.memory_space<hbm>>
      %dma_start3A_35 = tpu.memref_slice %arg5[%mul3A_0] : memref<10240xf32, #tpu.memory_space<hbm>> -> memref<640xf32, #tpu.memory_space<hbm>>
      tpu.enqueue_dma source(%arg14 : memref<640xf32, #tpu.memory_space<vmem>>) target(%dma_start3A_35 : memref<640xf32, #tpu.memory_space<hbm>>) target_semaphore(%run_scoped3A : memref<!tpu.dma_semaphore, #tpu.memory_space<semaphore_mem>>)
      %dma_wait3A = tpu.memref_slice %arg5[%mul3A_0] : memref<10240xf32, #tpu.memory_space<hbm>> -> memref<640xf32, #tpu.memory_space<hbm>>
      %dma_wait3A_36 = tpu.memref_slice %arg5[%mul3A_0] : memref<10240xf32, #tpu.memory_space<hbm>> -> memref<640xf32, #tpu.memory_space<hbm>>
      tpu.wait_dma2 semaphore(%run_scoped3A : memref<!tpu.dma_semaphore, #tpu.memory_space<semaphore_mem>>) src(%arg14 : memref<640xf32, #tpu.memory_space<vmem>>) dst(%dma_wait3A_36 : memref<640xf32, #tpu.memory_space<hbm>>)
      tpu.yield
    }) : () -> ()
    "tpu.region"() ({
      %run_scoped3A = tpu.sem_alloc : memref<!tpu.dma_semaphore, #tpu.memory_space<semaphore_mem>>
      %dma_start3A = tpu.memref_slice %arg6[%mul3A_0] : memref<10240xf32, #tpu.memory_space<hbm>> -> memref<640xf32, #tpu.memory_space<hbm>>
      %dma_start3A_35 = tpu.memref_slice %arg6[%mul3A_0] : memref<10240xf32, #tpu.memory_space<hbm>> -> memref<640xf32, #tpu.memory_space<hbm>>
      tpu.enqueue_dma source(%arg15 : memref<640xf32, #tpu.memory_space<vmem>>) target(%dma_start3A_35 : memref<640xf32, #tpu.memory_space<hbm>>) target_semaphore(%run_scoped3A : memref<!tpu.dma_semaphore, #tpu.memory_space<semaphore_mem>>)
      %dma_wait3A = tpu.memref_slice %arg6[%mul3A_0] : memref<10240xf32, #tpu.memory_space<hbm>> -> memref<640xf32, #tpu.memory_space<hbm>>
      %dma_wait3A_36 = tpu.memref_slice %arg6[%mul3A_0] : memref<10240xf32, #tpu.memory_space<hbm>> -> memref<640xf32, #tpu.memory_space<hbm>>
      tpu.wait_dma2 semaphore(%run_scoped3A : memref<!tpu.dma_semaphore, #tpu.memory_space<semaphore_mem>>) src(%arg15 : memref<640xf32, #tpu.memory_space<vmem>>) dst(%dma_wait3A_36 : memref<640xf32, #tpu.memory_space<hbm>>)
      tpu.yield
    }) : () -> ()
    %barrier3A_22 = arith.constant 0 : index
    tpu.barrier barrier_id(%barrier3A_22)
    "tpu.region"() ({
      %run_scoped3A = tpu.sem_alloc : memref<!tpu.dma_semaphore, #tpu.memory_space<semaphore_mem>>
      tpu.enqueue_dma source(%arg5 : memref<10240xf32, #tpu.memory_space<hbm>>) target(%arg10 : memref<10240xf32, #tpu.memory_space<vmem>>) target_semaphore(%run_scoped3A : memref<!tpu.dma_semaphore, #tpu.memory_space<semaphore_mem>>)
      tpu.wait_dma2 semaphore(%run_scoped3A : memref<!tpu.dma_semaphore, #tpu.memory_space<semaphore_mem>>) src(%arg5 : memref<10240xf32, #tpu.memory_space<hbm>>) dst(%arg10 : memref<10240xf32, #tpu.memory_space<vmem>>)
      tpu.yield
    }) : () -> ()
    %broadcast_in_dim3A_23 = arith.constant 0.000000e+00 : f32
    %broadcast_in_dim3A_24 = vector.broadcast %broadcast_in_dim3A_23 : f32 to vector<16xf32>
    %scan3A_25 = arith.constant 0 : i32
    %scan3A_26 = arith.constant 640 : i32
    %scan3A_27 = arith.addi %scan3A_25, %scan3A_26 : i32
    %scan3A_28 = arith.constant 1 : i32
    scf.for %scan3A_35 = %scan3A_25 to %scan3A_27 step %scan3A_28  : i32 {
      %mul3A_36 = arith.constant 1 : i32
      %mul3A_37 = arith.muli %scan3A_35, %mul3A_36 : i32
      %add3A = arith.constant 0 : i32
      %add3A_38 = arith.addi %add3A, %mul3A_37 : i32
      %mul3A_39 = arith.constant 16 : i32
      %mul3A_40 = arith.muli %add3A_38, %mul3A_39 : i32
      %swap3A = arith.index_cast %mul3A_40 : i32 to index
      %swap3A_41 = tpu.vector_load %arg9[%swap3A] {strides = array<i32>} : memref<10240xf32, #tpu.memory_space<vmem>>, vector<16xf32>,
      tpu.vector_store %arg9[%swap3A], %broadcast_in_dim3A_24 {strides = array<i32>} : memref<10240xf32, #tpu.memory_space<vmem>>, vector<16xf32>,
    }
    %scan3A_29 = arith.constant 640 : i32
    %scan3A_30 = arith.constant 0 : i32
    %scan3A_31 = arith.constant 1250 : i32
    %scan3A_32 = arith.addi %scan3A_30, %scan3A_31 : i32
    %scan3A_33 = arith.constant 50 : i32
    scf.for %scan3A_35 = %scan3A_30 to %scan3A_32 step %scan3A_33  : i32 {
      %mul3A_36 = arith.constant 1 : i32
      %mul3A_37 = arith.muli %scan3A_35, %mul3A_36 : i32
      %add3A = arith.constant 0 : i32
      %add3A_38 = arith.addi %add3A, %mul3A_37 : i32
      %mul3A_39 = arith.constant 16 : i32
      %mul3A_40 = arith.muli %add3A_38, %mul3A_39 : i32
      %get3A = arith.index_cast %mul3A_40 : i32 to index
      %get3A_41 = tpu.vector_load %arg11[%get3A] {strides = array<i32>} : memref<20000xi32, #tpu.memory_space<vmem>>, vector<16xi32>,
      %mul3A_42 = arith.constant 16 : i32
      %mul3A_43 = arith.muli %add3A_38, %mul3A_42 : i32
      %get3A_44 = arith.index_cast %mul3A_43 : i32 to index
      %get3A_45 = tpu.vector_load %arg12[%get3A_44] {strides = array<i32>} : memref<20000xi32, #tpu.memory_space<vmem>>, vector<16xi32>,
      %gather3A = tpu.vector_load_idx %arg10[%get3A_41] : memref<10240xf32, #tpu.memory_space<vmem>>[vector<16xi32>], vector<16xf32>,
      tpu.vector_store_idx %arg9[%get3A_45], %gather3A {add = true} : memref<10240xf32, #tpu.memory_space<vmem>>[vector<16xi32>], vector<16xf32>,
      %scan3A_46 = arith.constant 1 : i32
      %scan3A_47 = arith.addi %scan3A_35, %scan3A_46 : i32
      %mul3A_48 = arith.constant 1 : i32
      %mul3A_49 = arith.muli %scan3A_47, %mul3A_48 : i32
      %add3A_50 = arith.constant 0 : i32
      %add3A_51 = arith.addi %add3A_50, %mul3A_49 : i32
      %mul3A_52 = arith.constant 16 : i32
      %mul3A_53 = arith.muli %add3A_51, %mul3A_52 : i32
      %get3A_54 = arith.index_cast %mul3A_53 : i32 to index
      %get3A_55 = tpu.vector_load %arg11[%get3A_54] {strides = array<i32>} : memref<20000xi32, #tpu.memory_space<vmem>>, vector<16xi32>,
      %mul3A_56 = arith.constant 16 : i32
      %mul3A_57 = arith.muli %add3A_51, %mul3A_56 : i32
      %get3A_58 = arith.index_cast %mul3A_57 : i32 to index
      %get3A_59 = tpu.vector_load %arg12[%get3A_58] {strides = array<i32>} : memref<20000xi32, #tpu.memory_space<vmem>>, vector<16xi32>,
      %gather3A_60 = tpu.vector_load_idx %arg10[%get3A_55] : memref<10240xf32, #tpu.memory_space<vmem>>[vector<16xi32>], vector<16xf32>,
      tpu.vector_store_idx %arg9[%get3A_59], %gather3A_60 {add = true} : memref<10240xf32, #tpu.memory_space<vmem>>[vector<16xi32>], vector<16xf32>,
      %scan3A_61 = arith.constant 2 : i32
      %scan3A_62 = arith.addi %scan3A_35, %scan3A_61 : i32
      %mul3A_63 = arith.constant 1 : i32
      %mul3A_64 = arith.muli %scan3A_62, %mul3A_63 : i32
      %add3A_65 = arith.constant 0 : i32
      %add3A_66 = arith.addi %add3A_65, %mul3A_64 : i32
      %mul3A_67 = arith.constant 16 : i32
      %mul3A_68 = arith.muli %add3A_66, %mul3A_67 : i32
      %get3A_69 = arith.index_cast %mul3A_68 : i32 to index
      %get3A_70 = tpu.vector_load %arg11[%get3A_69] {strides = array<i32>} : memref<20000xi32, #tpu.memory_space<vmem>>, vector<16xi32>,
      %mul3A_71 = arith.constant 16 : i32
      %mul3A_72 = arith.muli %add3A_66, %mul3A_71 : i32
      %get3A_73 = arith.index_cast %mul3A_72 : i32 to index
      %get3A_74 = tpu.vector_load %arg12[%get3A_73] {strides = array<i32>} : memref<20000xi32, #tpu.memory_space<vmem>>, vector<16xi32>,
      %gather3A_75 = tpu.vector_load_idx %arg10[%get3A_70] : memref<10240xf32, #tpu.memory_space<vmem>>[vector<16xi32>], vector<16xf32>,
      tpu.vector_store_idx %arg9[%get3A_74], %gather3A_75 {add = true} : memref<10240xf32, #tpu.memory_space<vmem>>[vector<16xi32>], vector<16xf32>,
      %scan3A_76 = arith.constant 3 : i32
      %scan3A_77 = arith.addi %scan3A_35, %scan3A_76 : i32
      %mul3A_78 = arith.constant 1 : i32
      %mul3A_79 = arith.muli %scan3A_77, %mul3A_78 : i32
      %add3A_80 = arith.constant 0 : i32
      %add3A_81 = arith.addi %add3A_80, %mul3A_79 : i32
      %mul3A_82 = arith.constant 16 : i32
      %mul3A_83 = arith.muli %add3A_81, %mul3A_82 : i32
      %get3A_84 = arith.index_cast %mul3A_83 : i32 to index
      %get3A_85 = tpu.vector_load %arg11[%get3A_84] {strides = array<i32>} : memref<20000xi32, #tpu.memory_space<vmem>>, vector<16xi32>,
      %mul3A_86 = arith.constant 16 : i32
      %mul3A_87 = arith.muli %add3A_81, %mul3A_86 : i32
      %get3A_88 = arith.index_cast %mul3A_87 : i32 to index
      %get3A_89 = tpu.vector_load %arg12[%get3A_88] {strides = array<i32>} : memref<20000xi32, #tpu.memory_space<vmem>>, vector<16xi32>,
      %gather3A_90 = tpu.vector_load_idx %arg10[%get3A_85] : memref<10240xf32, #tpu.memory_space<vmem>>[vector<16xi32>], vector<16xf32>,
      tpu.vector_store_idx %arg9[%get3A_89], %gather3A_90 {add = true} : memref<10240xf32, #tpu.memory_space<vmem>>[vector<16xi32>], vector<16xf32>,
      %scan3A_91 = arith.constant 4 : i32
      %scan3A_92 = arith.addi %scan3A_35, %scan3A_91 : i32
      %mul3A_93 = arith.constant 1 : i32
      %mul3A_94 = arith.muli %scan3A_92, %mul3A_93 : i32
      %add3A_95 = arith.constant 0 : i32
      %add3A_96 = arith.addi %add3A_95, %mul3A_94 : i32
      %mul3A_97 = arith.constant 16 : i32
      %mul3A_98 = arith.muli %add3A_96, %mul3A_97 : i32
      %get3A_99 = arith.index_cast %mul3A_98 : i32 to index
      %get3A_100 = tpu.vector_load %arg11[%get3A_99] {strides = array<i32>} : memref<20000xi32, #tpu.memory_space<vmem>>, vector<16xi32>,
      %mul3A_101 = arith.constant 16 : i32
      %mul3A_102 = arith.muli %add3A_96, %mul3A_101 : i32
      %get3A_103 = arith.index_cast %mul3A_102 : i32 to index
      %get3A_104 = tpu.vector_load %arg12[%get3A_103] {strides = array<i32>} : memref<20000xi32, #tpu.memory_space<vmem>>, vector<16xi32>,
      %gather3A_105 = tpu.vector_load_idx %arg10[%get3A_100] : memref<10240xf32, #tpu.memory_space<vmem>>[vector<16xi32>], vector<16xf32>,
      tpu.vector_store_idx %arg9[%get3A_104], %gather3A_105 {add = true} : memref<10240xf32, #tpu.memory_space<vmem>>[vector<16xi32>], vector<16xf32>,
      %scan3A_106 = arith.constant 5 : i32
      %scan3A_107 = arith.addi %scan3A_35, %scan3A_106 : i32
      %mul3A_108 = arith.constant 1 : i32
      %mul3A_109 = arith.muli %scan3A_107, %mul3A_108 : i32
      %add3A_110 = arith.constant 0 : i32
      %add3A_111 = arith.addi %add3A_110, %mul3A_109 : i32
      %mul3A_112 = arith.constant 16 : i32
      %mul3A_113 = arith.muli %add3A_111, %mul3A_112 : i32
      %get3A_114 = arith.index_cast %mul3A_113 : i32 to index
      %get3A_115 = tpu.vector_load %arg11[%get3A_114] {strides = array<i32>} : memref<20000xi32, #tpu.memory_space<vmem>>, vector<16xi32>,
      %mul3A_116 = arith.constant 16 : i32
      %mul3A_117 = arith.muli %add3A_111, %mul3A_116 : i32
      %get3A_118 = arith.index_cast %mul3A_117 : i32 to index
      %get3A_119 = tpu.vector_load %arg12[%get3A_118] {strides = array<i32>} : memref<20000xi32, #tpu.memory_space<vmem>>, vector<16xi32>,
      %gather3A_120 = tpu.vector_load_idx %arg10[%get3A_115] : memref<10240xf32, #tpu.memory_space<vmem>>[vector<16xi32>], vector<16xf32>,
      tpu.vector_store_idx %arg9[%get3A_119], %gather3A_120 {add = true} : memref<10240xf32, #tpu.memory_space<vmem>>[vector<16xi32>], vector<16xf32>,
      %scan3A_121 = arith.constant 6 : i32
      %scan3A_122 = arith.addi %scan3A_35, %scan3A_121 : i32
      %mul3A_123 = arith.constant 1 : i32
      %mul3A_124 = arith.muli %scan3A_122, %mul3A_123 : i32
      %add3A_125 = arith.constant 0 : i32
      %add3A_126 = arith.addi %add3A_125, %mul3A_124 : i32
      %mul3A_127 = arith.constant 16 : i32
      %mul3A_128 = arith.muli %add3A_126, %mul3A_127 : i32
      %get3A_129 = arith.index_cast %mul3A_128 : i32 to index
      %get3A_130 = tpu.vector_load %arg11[%get3A_129] {strides = array<i32>} : memref<20000xi32, #tpu.memory_space<vmem>>, vector<16xi32>,
      %mul3A_131 = arith.constant 16 : i32
      %mul3A_132 = arith.muli %add3A_126, %mul3A_131 : i32
      %get3A_133 = arith.index_cast %mul3A_132 : i32 to index
      %get3A_134 = tpu.vector_load %arg12[%get3A_133] {strides = array<i32>} : memref<20000xi32, #tpu.memory_space<vmem>>, vector<16xi32>,
      %gather3A_135 = tpu.vector_load_idx %arg10[%get3A_130] : memref<10240xf32, #tpu.memory_space<vmem>>[vector<16xi32>], vector<16xf32>,
      tpu.vector_store_idx %arg9[%get3A_134], %gather3A_135 {add = true} : memref<10240xf32, #tpu.memory_space<vmem>>[vector<16xi32>], vector<16xf32>,
      %scan3A_136 = arith.constant 7 : i32
      %scan3A_137 = arith.addi %scan3A_35, %scan3A_136 : i32
      %mul3A_138 = arith.constant 1 : i32
      %mul3A_139 = arith.muli %scan3A_137, %mul3A_138 : i32
      %add3A_140 = arith.constant 0 : i32
      %add3A_141 = arith.addi %add3A_140, %mul3A_139 : i32
      %mul3A_142 = arith.constant 16 : i32
      %mul3A_143 = arith.muli %add3A_141, %mul3A_142 : i32
      %get3A_144 = arith.index_cast %mul3A_143 : i32 to index
      %get3A_145 = tpu.vector_load %arg11[%get3A_144] {strides = array<i32>} : memref<20000xi32, #tpu.memory_space<vmem>>, vector<16xi32>,
      %mul3A_146 = arith.constant 16 : i32
      %mul3A_147 = arith.muli %add3A_141, %mul3A_146 : i32
      %get3A_148 = arith.index_cast %mul3A_147 : i32 to index
      %get3A_149 = tpu.vector_load %arg12[%get3A_148] {strides = array<i32>} : memref<20000xi32, #tpu.memory_space<vmem>>, vector<16xi32>,
      %gather3A_150 = tpu.vector_load_idx %arg10[%get3A_145] : memref<10240xf32, #tpu.memory_space<vmem>>[vector<16xi32>], vector<16xf32>,
      tpu.vector_store_idx %arg9[%get3A_149], %gather3A_150 {add = true} : memref<10240xf32, #tpu.memory_space<vmem>>[vector<16xi32>], vector<16xf32>,
      %scan3A_151 = arith.constant 8 : i32
      %scan3A_152 = arith.addi %scan3A_35, %scan3A_151 : i32
      %mul3A_153 = arith.constant 1 : i32
      %mul3A_154 = arith.muli %scan3A_152, %mul3A_153 : i32
      %add3A_155 = arith.constant 0 : i32
      %add3A_156 = arith.addi %add3A_155, %mul3A_154 : i32
      %mul3A_157 = arith.constant 16 : i32
      %mul3A_158 = arith.muli %add3A_156, %mul3A_157 : i32
      %get3A_159 = arith.index_cast %mul3A_158 : i32 to index
      %get3A_160 = tpu.vector_load %arg11[%get3A_159] {strides = array<i32>} : memref<20000xi32, #tpu.memory_space<vmem>>, vector<16xi32>,
      %mul3A_161 = arith.constant 16 : i32
      %mul3A_162 = arith.muli %add3A_156, %mul3A_161 : i32
      %get3A_163 = arith.index_cast %mul3A_162 : i32 to index
      %get3A_164 = tpu.vector_load %arg12[%get3A_163] {strides = array<i32>} : memref<20000xi32, #tpu.memory_space<vmem>>, vector<16xi32>,
      %gather3A_165 = tpu.vector_load_idx %arg10[%get3A_160] : memref<10240xf32, #tpu.memory_space<vmem>>[vector<16xi32>], vector<16xf32>,
      tpu.vector_store_idx %arg9[%get3A_164], %gather3A_165 {add = true} : memref<10240xf32, #tpu.memory_space<vmem>>[vector<16xi32>], vector<16xf32>,
      %scan3A_166 = arith.constant 9 : i32
      %scan3A_167 = arith.addi %scan3A_35, %scan3A_166 : i32
      %mul3A_168 = arith.constant 1 : i32
      %mul3A_169 = arith.muli %scan3A_167, %mul3A_168 : i32
      %add3A_170 = arith.constant 0 : i32
      %add3A_171 = arith.addi %add3A_170, %mul3A_169 : i32
      %mul3A_172 = arith.constant 16 : i32
      %mul3A_173 = arith.muli %add3A_171, %mul3A_172 : i32
      %get3A_174 = arith.index_cast %mul3A_173 : i32 to index
      %get3A_175 = tpu.vector_load %arg11[%get3A_174] {strides = array<i32>} : memref<20000xi32, #tpu.memory_space<vmem>>, vector<16xi32>,
      %mul3A_176 = arith.constant 16 : i32
      %mul3A_177 = arith.muli %add3A_171, %mul3A_176 : i32
      %get3A_178 = arith.index_cast %mul3A_177 : i32 to index
      %get3A_179 = tpu.vector_load %arg12[%get3A_178] {strides = array<i32>} : memref<20000xi32, #tpu.memory_space<vmem>>, vector<16xi32>,
      %gather3A_180 = tpu.vector_load_idx %arg10[%get3A_175] : memref<10240xf32, #tpu.memory_space<vmem>>[vector<16xi32>], vector<16xf32>,
      tpu.vector_store_idx %arg9[%get3A_179], %gather3A_180 {add = true} : memref<10240xf32, #tpu.memory_space<vmem>>[vector<16xi32>], vector<16xf32>,
      %scan3A_181 = arith.constant 10 : i32
      %scan3A_182 = arith.addi %scan3A_35, %scan3A_181 : i32
      %mul3A_183 = arith.constant 1 : i32
      %mul3A_184 = arith.muli %scan3A_182, %mul3A_183 : i32
      %add3A_185 = arith.constant 0 : i32
      %add3A_186 = arith.addi %add3A_185, %mul3A_184 : i32
      %mul3A_187 = arith.constant 16 : i32
      %mul3A_188 = arith.muli %add3A_186, %mul3A_187 : i32
      %get3A_189 = arith.index_cast %mul3A_188 : i32 to index
      %get3A_190 = tpu.vector_load %arg11[%get3A_189] {strides = array<i32>} : memref<20000xi32, #tpu.memory_space<vmem>>, vector<16xi32>,
      %mul3A_191 = arith.constant 16 : i32
      %mul3A_192 = arith.muli %add3A_186, %mul3A_191 : i32
      %get3A_193 = arith.index_cast %mul3A_192 : i32 to index
      %get3A_194 = tpu.vector_load %arg12[%get3A_193] {strides = array<i32>} : memref<20000xi32, #tpu.memory_space<vmem>>, vector<16xi32>,
      %gather3A_195 = tpu.vector_load_idx %arg10[%get3A_190] : memref<10240xf32, #tpu.memory_space<vmem>>[vector<16xi32>], vector<16xf32>,
      tpu.vector_store_idx %arg9[%get3A_194], %gather3A_195 {add = true} : memref<10240xf32, #tpu.memory_space<vmem>>[vector<16xi32>], vector<16xf32>,
      %scan3A_196 = arith.constant 11 : i32
      %scan3A_197 = arith.addi %scan3A_35, %scan3A_196 : i32
      %mul3A_198 = arith.constant 1 : i32
      %mul3A_199 = arith.muli %scan3A_197, %mul3A_198 : i32
      %add3A_200 = arith.constant 0 : i32
      %add3A_201 = arith.addi %add3A_200, %mul3A_199 : i32
      %mul3A_202 = arith.constant 16 : i32
      %mul3A_203 = arith.muli %add3A_201, %mul3A_202 : i32
      %get3A_204 = arith.index_cast %mul3A_203 : i32 to index
      %get3A_205 = tpu.vector_load %arg11[%get3A_204] {strides = array<i32>} : memref<20000xi32, #tpu.memory_space<vmem>>, vector<16xi32>,
      %mul3A_206 = arith.constant 16 : i32
      %mul3A_207 = arith.muli %add3A_201, %mul3A_206 : i32
      %get3A_208 = arith.index_cast %mul3A_207 : i32 to index
      %get3A_209 = tpu.vector_load %arg12[%get3A_208] {strides = array<i32>} : memref<20000xi32, #tpu.memory_space<vmem>>, vector<16xi32>,
      %gather3A_210 = tpu.vector_load_idx %arg10[%get3A_205] : memref<10240xf32, #tpu.memory_space<vmem>>[vector<16xi32>], vector<16xf32>,
      tpu.vector_store_idx %arg9[%get3A_209], %gather3A_210 {add = true} : memref<10240xf32, #tpu.memory_space<vmem>>[vector<16xi32>], vector<16xf32>,
      %scan3A_211 = arith.constant 12 : i32
      %scan3A_212 = arith.addi %scan3A_35, %scan3A_211 : i32
      %mul3A_213 = arith.constant 1 : i32
      %mul3A_214 = arith.muli %scan3A_212, %mul3A_213 : i32
      %add3A_215 = arith.constant 0 : i32
      %add3A_216 = arith.addi %add3A_215, %mul3A_214 : i32
      %mul3A_217 = arith.constant 16 : i32
      %mul3A_218 = arith.muli %add3A_216, %mul3A_217 : i32
      %get3A_219 = arith.index_cast %mul3A_218 : i32 to index
      %get3A_220 = tpu.vector_load %arg11[%get3A_219] {strides = array<i32>} : memref<20000xi32, #tpu.memory_space<vmem>>, vector<16xi32>,
      %mul3A_221 = arith.constant 16 : i32
      %mul3A_222 = arith.muli %add3A_216, %mul3A_221 : i32
      %get3A_223 = arith.index_cast %mul3A_222 : i32 to index
      %get3A_224 = tpu.vector_load %arg12[%get3A_223] {strides = array<i32>} : memref<20000xi32, #tpu.memory_space<vmem>>, vector<16xi32>,
      %gather3A_225 = tpu.vector_load_idx %arg10[%get3A_220] : memref<10240xf32, #tpu.memory_space<vmem>>[vector<16xi32>], vector<16xf32>,
      tpu.vector_store_idx %arg9[%get3A_224], %gather3A_225 {add = true} : memref<10240xf32, #tpu.memory_space<vmem>>[vector<16xi32>], vector<16xf32>,
      %scan3A_226 = arith.constant 13 : i32
      %scan3A_227 = arith.addi %scan3A_35, %scan3A_226 : i32
      %mul3A_228 = arith.constant 1 : i32
      %mul3A_229 = arith.muli %scan3A_227, %mul3A_228 : i32
      %add3A_230 = arith.constant 0 : i32
      %add3A_231 = arith.addi %add3A_230, %mul3A_229 : i32
      %mul3A_232 = arith.constant 16 : i32
      %mul3A_233 = arith.muli %add3A_231, %mul3A_232 : i32
      %get3A_234 = arith.index_cast %mul3A_233 : i32 to index
      %get3A_235 = tpu.vector_load %arg11[%get3A_234] {strides = array<i32>} : memref<20000xi32, #tpu.memory_space<vmem>>, vector<16xi32>,
      %mul3A_236 = arith.constant 16 : i32
      %mul3A_237 = arith.muli %add3A_231, %mul3A_236 : i32
      %get3A_238 = arith.index_cast %mul3A_237 : i32 to index
      %get3A_239 = tpu.vector_load %arg12[%get3A_238] {strides = array<i32>} : memref<20000xi32, #tpu.memory_space<vmem>>, vector<16xi32>,
      %gather3A_240 = tpu.vector_load_idx %arg10[%get3A_235] : memref<10240xf32, #tpu.memory_space<vmem>>[vector<16xi32>], vector<16xf32>,
      tpu.vector_store_idx %arg9[%get3A_239], %gather3A_240 {add = true} : memref<10240xf32, #tpu.memory_space<vmem>>[vector<16xi32>], vector<16xf32>,
      %scan3A_241 = arith.constant 14 : i32
      %scan3A_242 = arith.addi %scan3A_35, %scan3A_241 : i32
      %mul3A_243 = arith.constant 1 : i32
      %mul3A_244 = arith.muli %scan3A_242, %mul3A_243 : i32
      %add3A_245 = arith.constant 0 : i32
      %add3A_246 = arith.addi %add3A_245, %mul3A_244 : i32
      %mul3A_247 = arith.constant 16 : i32
      %mul3A_248 = arith.muli %add3A_246, %mul3A_247 : i32
      %get3A_249 = arith.index_cast %mul3A_248 : i32 to index
      %get3A_250 = tpu.vector_load %arg11[%get3A_249] {strides = array<i32>} : memref<20000xi32, #tpu.memory_space<vmem>>, vector<16xi32>,
      %mul3A_251 = arith.constant 16 : i32
      %mul3A_252 = arith.muli %add3A_246, %mul3A_251 : i32
      %get3A_253 = arith.index_cast %mul3A_252 : i32 to index
      %get3A_254 = tpu.vector_load %arg12[%get3A_253] {strides = array<i32>} : memref<20000xi32, #tpu.memory_space<vmem>>, vector<16xi32>,
      %gather3A_255 = tpu.vector_load_idx %arg10[%get3A_250] : memref<10240xf32, #tpu.memory_space<vmem>>[vector<16xi32>], vector<16xf32>,
      tpu.vector_store_idx %arg9[%get3A_254], %gather3A_255 {add = true} : memref<10240xf32, #tpu.memory_space<vmem>>[vector<16xi32>], vector<16xf32>,
      %scan3A_256 = arith.constant 15 : i32
      %scan3A_257 = arith.addi %scan3A_35, %scan3A_256 : i32
      %mul3A_258 = arith.constant 1 : i32
      %mul3A_259 = arith.muli %scan3A_257, %mul3A_258 : i32
      %add3A_260 = arith.constant 0 : i32
      %add3A_261 = arith.addi %add3A_260, %mul3A_259 : i32
      %mul3A_262 = arith.constant 16 : i32
      %mul3A_263 = arith.muli %add3A_261, %mul3A_262 : i32
      %get3A_264 = arith.index_cast %mul3A_263 : i32 to index
      %get3A_265 = tpu.vector_load %arg11[%get3A_264] {strides = array<i32>} : memref<20000xi32, #tpu.memory_space<vmem>>, vector<16xi32>,
      %mul3A_266 = arith.constant 16 : i32
      %mul3A_267 = arith.muli %add3A_261, %mul3A_266 : i32
      %get3A_268 = arith.index_cast %mul3A_267 : i32 to index
      %get3A_269 = tpu.vector_load %arg12[%get3A_268] {strides = array<i32>} : memref<20000xi32, #tpu.memory_space<vmem>>, vector<16xi32>,
      %gather3A_270 = tpu.vector_load_idx %arg10[%get3A_265] : memref<10240xf32, #tpu.memory_space<vmem>>[vector<16xi32>], vector<16xf32>,
      tpu.vector_store_idx %arg9[%get3A_269], %gather3A_270 {add = true} : memref<10240xf32, #tpu.memory_space<vmem>>[vector<16xi32>], vector<16xf32>,
      %scan3A_271 = arith.constant 16 : i32
      %scan3A_272 = arith.addi %scan3A_35, %scan3A_271 : i32
      %mul3A_273 = arith.constant 1 : i32
      %mul3A_274 = arith.muli %scan3A_272, %mul3A_273 : i32
      %add3A_275 = arith.constant 0 : i32
      %add3A_276 = arith.addi %add3A_275, %mul3A_274 : i32
      %mul3A_277 = arith.constant 16 : i32
      %mul3A_278 = arith.muli %add3A_276, %mul3A_277 : i32
      %get3A_279 = arith.index_cast %mul3A_278 : i32 to index
      %get3A_280 = tpu.vector_load %arg11[%get3A_279] {strides = array<i32>} : memref<20000xi32, #tpu.memory_space<vmem>>, vector<16xi32>,
      %mul3A_281 = arith.constant 16 : i32
      %mul3A_282 = arith.muli %add3A_276, %mul3A_281 : i32
      %get3A_283 = arith.index_cast %mul3A_282 : i32 to index
      %get3A_284 = tpu.vector_load %arg12[%get3A_283] {strides = array<i32>} : memref<20000xi32, #tpu.memory_space<vmem>>, vector<16xi32>,
      %gather3A_285 = tpu.vector_load_idx %arg10[%get3A_280] : memref<10240xf32, #tpu.memory_space<vmem>>[vector<16xi32>], vector<16xf32>,
      tpu.vector_store_idx %arg9[%get3A_284], %gather3A_285 {add = true} : memref<10240xf32, #tpu.memory_space<vmem>>[vector<16xi32>], vector<16xf32>,
      %scan3A_286 = arith.constant 17 : i32
      %scan3A_287 = arith.addi %scan3A_35, %scan3A_286 : i32
      %mul3A_288 = arith.constant 1 : i32
      %mul3A_289 = arith.muli %scan3A_287, %mul3A_288 : i32
      %add3A_290 = arith.constant 0 : i32
      %add3A_291 = arith.addi %add3A_290, %mul3A_289 : i32
      %mul3A_292 = arith.constant 16 : i32
      %mul3A_293 = arith.muli %add3A_291, %mul3A_292 : i32
      %get3A_294 = arith.index_cast %mul3A_293 : i32 to index
      %get3A_295 = tpu.vector_load %arg11[%get3A_294] {strides = array<i32>} : memref<20000xi32, #tpu.memory_space<vmem>>, vector<16xi32>,
      %mul3A_296 = arith.constant 16 : i32
      %mul3A_297 = arith.muli %add3A_291, %mul3A_296 : i32
      %get3A_298 = arith.index_cast %mul3A_297 : i32 to index
      %get3A_299 = tpu.vector_load %arg12[%get3A_298] {strides = array<i32>} : memref<20000xi32, #tpu.memory_space<vmem>>, vector<16xi32>,
      %gather3A_300 = tpu.vector_load_idx %arg10[%get3A_295] : memref<10240xf32, #tpu.memory_space<vmem>>[vector<16xi32>], vector<16xf32>,
      tpu.vector_store_idx %arg9[%get3A_299], %gather3A_300 {add = true} : memref<10240xf32, #tpu.memory_space<vmem>>[vector<16xi32>], vector<16xf32>,
      %scan3A_301 = arith.constant 18 : i32
      %scan3A_302 = arith.addi %scan3A_35, %scan3A_301 : i32
      %mul3A_303 = arith.constant 1 : i32
      %mul3A_304 = arith.muli %scan3A_302, %mul3A_303 : i32
      %add3A_305 = arith.constant 0 : i32
      %add3A_306 = arith.addi %add3A_305, %mul3A_304 : i32
      %mul3A_307 = arith.constant 16 : i32
      %mul3A_308 = arith.muli %add3A_306, %mul3A_307 : i32
      %get3A_309 = arith.index_cast %mul3A_308 : i32 to index
      %get3A_310 = tpu.vector_load %arg11[%get3A_309] {strides = array<i32>} : memref<20000xi32, #tpu.memory_space<vmem>>, vector<16xi32>,
      %mul3A_311 = arith.constant 16 : i32
      %mul3A_312 = arith.muli %add3A_306, %mul3A_311 : i32
      %get3A_313 = arith.index_cast %mul3A_312 : i32 to index
      %get3A_314 = tpu.vector_load %arg12[%get3A_313] {strides = array<i32>} : memref<20000xi32, #tpu.memory_space<vmem>>, vector<16xi32>,
      %gather3A_315 = tpu.vector_load_idx %arg10[%get3A_310] : memref<10240xf32, #tpu.memory_space<vmem>>[vector<16xi32>], vector<16xf32>,
      tpu.vector_store_idx %arg9[%get3A_314], %gather3A_315 {add = true} : memref<10240xf32, #tpu.memory_space<vmem>>[vector<16xi32>], vector<16xf32>,
      %scan3A_316 = arith.constant 19 : i32
      %scan3A_317 = arith.addi %scan3A_35, %scan3A_316 : i32
      %mul3A_318 = arith.constant 1 : i32
      %mul3A_319 = arith.muli %scan3A_317, %mul3A_318 : i32
      %add3A_320 = arith.constant 0 : i32
      %add3A_321 = arith.addi %add3A_320, %mul3A_319 : i32
      %mul3A_322 = arith.constant 16 : i32
      %mul3A_323 = arith.muli %add3A_321, %mul3A_322 : i32
      %get3A_324 = arith.index_cast %mul3A_323 : i32 to index
      %get3A_325 = tpu.vector_load %arg11[%get3A_324] {strides = array<i32>} : memref<20000xi32, #tpu.memory_space<vmem>>, vector<16xi32>,
      %mul3A_326 = arith.constant 16 : i32
      %mul3A_327 = arith.muli %add3A_321, %mul3A_326 : i32
      %get3A_328 = arith.index_cast %mul3A_327 : i32 to index
      %get3A_329 = tpu.vector_load %arg12[%get3A_328] {strides = array<i32>} : memref<20000xi32, #tpu.memory_space<vmem>>, vector<16xi32>,
      %gather3A_330 = tpu.vector_load_idx %arg10[%get3A_325] : memref<10240xf32, #tpu.memory_space<vmem>>[vector<16xi32>], vector<16xf32>,
      tpu.vector_store_idx %arg9[%get3A_329], %gather3A_330 {add = true} : memref<10240xf32, #tpu.memory_space<vmem>>[vector<16xi32>], vector<16xf32>,
      %scan3A_331 = arith.constant 20 : i32
      %scan3A_332 = arith.addi %scan3A_35, %scan3A_331 : i32
      %mul3A_333 = arith.constant 1 : i32
      %mul3A_334 = arith.muli %scan3A_332, %mul3A_333 : i32
      %add3A_335 = arith.constant 0 : i32
      %add3A_336 = arith.addi %add3A_335, %mul3A_334 : i32
      %mul3A_337 = arith.constant 16 : i32
      %mul3A_338 = arith.muli %add3A_336, %mul3A_337 : i32
      %get3A_339 = arith.index_cast %mul3A_338 : i32 to index
      %get3A_340 = tpu.vector_load %arg11[%get3A_339] {strides = array<i32>} : memref<20000xi32, #tpu.memory_space<vmem>>, vector<16xi32>,
      %mul3A_341 = arith.constant 16 : i32
      %mul3A_342 = arith.muli %add3A_336, %mul3A_341 : i32
      %get3A_343 = arith.index_cast %mul3A_342 : i32 to index
      %get3A_344 = tpu.vector_load %arg12[%get3A_343] {strides = array<i32>} : memref<20000xi32, #tpu.memory_space<vmem>>, vector<16xi32>,
      %gather3A_345 = tpu.vector_load_idx %arg10[%get3A_340] : memref<10240xf32, #tpu.memory_space<vmem>>[vector<16xi32>], vector<16xf32>,
      tpu.vector_store_idx %arg9[%get3A_344], %gather3A_345 {add = true} : memref<10240xf32, #tpu.memory_space<vmem>>[vector<16xi32>], vector<16xf32>,
      %scan3A_346 = arith.constant 21 : i32
      %scan3A_347 = arith.addi %scan3A_35, %scan3A_346 : i32
      %mul3A_348 = arith.constant 1 : i32
      %mul3A_349 = arith.muli %scan3A_347, %mul3A_348 : i32
      %add3A_350 = arith.constant 0 : i32
      %add3A_351 = arith.addi %add3A_350, %mul3A_349 : i32
      %mul3A_352 = arith.constant 16 : i32
      %mul3A_353 = arith.muli %add3A_351, %mul3A_352 : i32
      %get3A_354 = arith.index_cast %mul3A_353 : i32 to index
      %get3A_355 = tpu.vector_load %arg11[%get3A_354] {strides = array<i32>} : memref<20000xi32, #tpu.memory_space<vmem>>, vector<16xi32>,
      %mul3A_356 = arith.constant 16 : i32
      %mul3A_357 = arith.muli %add3A_351, %mul3A_356 : i32
      %get3A_358 = arith.index_cast %mul3A_357 : i32 to index
      %get3A_359 = tpu.vector_load %arg12[%get3A_358] {strides = array<i32>} : memref<20000xi32, #tpu.memory_space<vmem>>, vector<16xi32>,
      %gather3A_360 = tpu.vector_load_idx %arg10[%get3A_355] : memref<10240xf32, #tpu.memory_space<vmem>>[vector<16xi32>], vector<16xf32>,
      tpu.vector_store_idx %arg9[%get3A_359], %gather3A_360 {add = true} : memref<10240xf32, #tpu.memory_space<vmem>>[vector<16xi32>], vector<16xf32>,
      %scan3A_361 = arith.constant 22 : i32
      %scan3A_362 = arith.addi %scan3A_35, %scan3A_361 : i32
      %mul3A_363 = arith.constant 1 : i32
      %mul3A_364 = arith.muli %scan3A_362, %mul3A_363 : i32
      %add3A_365 = arith.constant 0 : i32
      %add3A_366 = arith.addi %add3A_365, %mul3A_364 : i32
      %mul3A_367 = arith.constant 16 : i32
      %mul3A_368 = arith.muli %add3A_366, %mul3A_367 : i32
      %get3A_369 = arith.index_cast %mul3A_368 : i32 to index
      %get3A_370 = tpu.vector_load %arg11[%get3A_369] {strides = array<i32>} : memref<20000xi32, #tpu.memory_space<vmem>>, vector<16xi32>,
      %mul3A_371 = arith.constant 16 : i32
      %mul3A_372 = arith.muli %add3A_366, %mul3A_371 : i32
      %get3A_373 = arith.index_cast %mul3A_372 : i32 to index
      %get3A_374 = tpu.vector_load %arg12[%get3A_373] {strides = array<i32>} : memref<20000xi32, #tpu.memory_space<vmem>>, vector<16xi32>,
      %gather3A_375 = tpu.vector_load_idx %arg10[%get3A_370] : memref<10240xf32, #tpu.memory_space<vmem>>[vector<16xi32>], vector<16xf32>,
      tpu.vector_store_idx %arg9[%get3A_374], %gather3A_375 {add = true} : memref<10240xf32, #tpu.memory_space<vmem>>[vector<16xi32>], vector<16xf32>,
      %scan3A_376 = arith.constant 23 : i32
      %scan3A_377 = arith.addi %scan3A_35, %scan3A_376 : i32
      %mul3A_378 = arith.constant 1 : i32
      %mul3A_379 = arith.muli %scan3A_377, %mul3A_378 : i32
      %add3A_380 = arith.constant 0 : i32
      %add3A_381 = arith.addi %add3A_380, %mul3A_379 : i32
      %mul3A_382 = arith.constant 16 : i32
      %mul3A_383 = arith.muli %add3A_381, %mul3A_382 : i32
      %get3A_384 = arith.index_cast %mul3A_383 : i32 to index
      %get3A_385 = tpu.vector_load %arg11[%get3A_384] {strides = array<i32>} : memref<20000xi32, #tpu.memory_space<vmem>>, vector<16xi32>,
      %mul3A_386 = arith.constant 16 : i32
      %mul3A_387 = arith.muli %add3A_381, %mul3A_386 : i32
      %get3A_388 = arith.index_cast %mul3A_387 : i32 to index
      %get3A_389 = tpu.vector_load %arg12[%get3A_388] {strides = array<i32>} : memref<20000xi32, #tpu.memory_space<vmem>>, vector<16xi32>,
      %gather3A_390 = tpu.vector_load_idx %arg10[%get3A_385] : memref<10240xf32, #tpu.memory_space<vmem>>[vector<16xi32>], vector<16xf32>,
      tpu.vector_store_idx %arg9[%get3A_389], %gather3A_390 {add = true} : memref<10240xf32, #tpu.memory_space<vmem>>[vector<16xi32>], vector<16xf32>,
      %scan3A_391 = arith.constant 24 : i32
      %scan3A_392 = arith.addi %scan3A_35, %scan3A_391 : i32
      %mul3A_393 = arith.constant 1 : i32
      %mul3A_394 = arith.muli %scan3A_392, %mul3A_393 : i32
      %add3A_395 = arith.constant 0 : i32
      %add3A_396 = arith.addi %add3A_395, %mul3A_394 : i32
      %mul3A_397 = arith.constant 16 : i32
      %mul3A_398 = arith.muli %add3A_396, %mul3A_397 : i32
      %get3A_399 = arith.index_cast %mul3A_398 : i32 to index
      %get3A_400 = tpu.vector_load %arg11[%get3A_399] {strides = array<i32>} : memref<20000xi32, #tpu.memory_space<vmem>>, vector<16xi32>,
      %mul3A_401 = arith.constant 16 : i32
      %mul3A_402 = arith.muli %add3A_396, %mul3A_401 : i32
      %get3A_403 = arith.index_cast %mul3A_402 : i32 to index
      %get3A_404 = tpu.vector_load %arg12[%get3A_403] {strides = array<i32>} : memref<20000xi32, #tpu.memory_space<vmem>>, vector<16xi32>,
      %gather3A_405 = tpu.vector_load_idx %arg10[%get3A_400] : memref<10240xf32, #tpu.memory_space<vmem>>[vector<16xi32>], vector<16xf32>,
      tpu.vector_store_idx %arg9[%get3A_404], %gather3A_405 {add = true} : memref<10240xf32, #tpu.memory_space<vmem>>[vector<16xi32>], vector<16xf32>,
      %scan3A_406 = arith.constant 25 : i32
      %scan3A_407 = arith.addi %scan3A_35, %scan3A_406 : i32
      %mul3A_408 = arith.constant 1 : i32
      %mul3A_409 = arith.muli %scan3A_407, %mul3A_408 : i32
      %add3A_410 = arith.constant 0 : i32
      %add3A_411 = arith.addi %add3A_410, %mul3A_409 : i32
      %mul3A_412 = arith.constant 16 : i32
      %mul3A_413 = arith.muli %add3A_411, %mul3A_412 : i32
      %get3A_414 = arith.index_cast %mul3A_413 : i32 to index
      %get3A_415 = tpu.vector_load %arg11[%get3A_414] {strides = array<i32>} : memref<20000xi32, #tpu.memory_space<vmem>>, vector<16xi32>,
      %mul3A_416 = arith.constant 16 : i32
      %mul3A_417 = arith.muli %add3A_411, %mul3A_416 : i32
      %get3A_418 = arith.index_cast %mul3A_417 : i32 to index
      %get3A_419 = tpu.vector_load %arg12[%get3A_418] {strides = array<i32>} : memref<20000xi32, #tpu.memory_space<vmem>>, vector<16xi32>,
      %gather3A_420 = tpu.vector_load_idx %arg10[%get3A_415] : memref<10240xf32, #tpu.memory_space<vmem>>[vector<16xi32>], vector<16xf32>,
      tpu.vector_store_idx %arg9[%get3A_419], %gather3A_420 {add = true} : memref<10240xf32, #tpu.memory_space<vmem>>[vector<16xi32>], vector<16xf32>,
      %scan3A_421 = arith.constant 26 : i32
      %scan3A_422 = arith.addi %scan3A_35, %scan3A_421 : i32
      %mul3A_423 = arith.constant 1 : i32
      %mul3A_424 = arith.muli %scan3A_422, %mul3A_423 : i32
      %add3A_425 = arith.constant 0 : i32
      %add3A_426 = arith.addi %add3A_425, %mul3A_424 : i32
      %mul3A_427 = arith.constant 16 : i32
      %mul3A_428 = arith.muli %add3A_426, %mul3A_427 : i32
      %get3A_429 = arith.index_cast %mul3A_428 : i32 to index
      %get3A_430 = tpu.vector_load %arg11[%get3A_429] {strides = array<i32>} : memref<20000xi32, #tpu.memory_space<vmem>>, vector<16xi32>,
      %mul3A_431 = arith.constant 16 : i32
      %mul3A_432 = arith.muli %add3A_426, %mul3A_431 : i32
      %get3A_433 = arith.index_cast %mul3A_432 : i32 to index
      %get3A_434 = tpu.vector_load %arg12[%get3A_433] {strides = array<i32>} : memref<20000xi32, #tpu.memory_space<vmem>>, vector<16xi32>,
      %gather3A_435 = tpu.vector_load_idx %arg10[%get3A_430] : memref<10240xf32, #tpu.memory_space<vmem>>[vector<16xi32>], vector<16xf32>,
      tpu.vector_store_idx %arg9[%get3A_434], %gather3A_435 {add = true} : memref<10240xf32, #tpu.memory_space<vmem>>[vector<16xi32>], vector<16xf32>,
      %scan3A_436 = arith.constant 27 : i32
      %scan3A_437 = arith.addi %scan3A_35, %scan3A_436 : i32
      %mul3A_438 = arith.constant 1 : i32
      %mul3A_439 = arith.muli %scan3A_437, %mul3A_438 : i32
      %add3A_440 = arith.constant 0 : i32
      %add3A_441 = arith.addi %add3A_440, %mul3A_439 : i32
      %mul3A_442 = arith.constant 16 : i32
      %mul3A_443 = arith.muli %add3A_441, %mul3A_442 : i32
      %get3A_444 = arith.index_cast %mul3A_443 : i32 to index
      %get3A_445 = tpu.vector_load %arg11[%get3A_444] {strides = array<i32>} : memref<20000xi32, #tpu.memory_space<vmem>>, vector<16xi32>,
      %mul3A_446 = arith.constant 16 : i32
      %mul3A_447 = arith.muli %add3A_441, %mul3A_446 : i32
      %get3A_448 = arith.index_cast %mul3A_447 : i32 to index
      %get3A_449 = tpu.vector_load %arg12[%get3A_448] {strides = array<i32>} : memref<20000xi32, #tpu.memory_space<vmem>>, vector<16xi32>,
      %gather3A_450 = tpu.vector_load_idx %arg10[%get3A_445] : memref<10240xf32, #tpu.memory_space<vmem>>[vector<16xi32>], vector<16xf32>,
      tpu.vector_store_idx %arg9[%get3A_449], %gather3A_450 {add = true} : memref<10240xf32, #tpu.memory_space<vmem>>[vector<16xi32>], vector<16xf32>,
      %scan3A_451 = arith.constant 28 : i32
      %scan3A_452 = arith.addi %scan3A_35, %scan3A_451 : i32
      %mul3A_453 = arith.constant 1 : i32
      %mul3A_454 = arith.muli %scan3A_452, %mul3A_453 : i32
      %add3A_455 = arith.constant 0 : i32
      %add3A_456 = arith.addi %add3A_455, %mul3A_454 : i32
      %mul3A_457 = arith.constant 16 : i32
      %mul3A_458 = arith.muli %add3A_456, %mul3A_457 : i32
      %get3A_459 = arith.index_cast %mul3A_458 : i32 to index
      %get3A_460 = tpu.vector_load %arg11[%get3A_459] {strides = array<i32>} : memref<20000xi32, #tpu.memory_space<vmem>>, vector<16xi32>,
      %mul3A_461 = arith.constant 16 : i32
      %mul3A_462 = arith.muli %add3A_456, %mul3A_461 : i32
      %get3A_463 = arith.index_cast %mul3A_462 : i32 to index
      %get3A_464 = tpu.vector_load %arg12[%get3A_463] {strides = array<i32>} : memref<20000xi32, #tpu.memory_space<vmem>>, vector<16xi32>,
      %gather3A_465 = tpu.vector_load_idx %arg10[%get3A_460] : memref<10240xf32, #tpu.memory_space<vmem>>[vector<16xi32>], vector<16xf32>,
      tpu.vector_store_idx %arg9[%get3A_464], %gather3A_465 {add = true} : memref<10240xf32, #tpu.memory_space<vmem>>[vector<16xi32>], vector<16xf32>,
      %scan3A_466 = arith.constant 29 : i32
      %scan3A_467 = arith.addi %scan3A_35, %scan3A_466 : i32
      %mul3A_468 = arith.constant 1 : i32
      %mul3A_469 = arith.muli %scan3A_467, %mul3A_468 : i32
      %add3A_470 = arith.constant 0 : i32
      %add3A_471 = arith.addi %add3A_470, %mul3A_469 : i32
      %mul3A_472 = arith.constant 16 : i32
      %mul3A_473 = arith.muli %add3A_471, %mul3A_472 : i32
      %get3A_474 = arith.index_cast %mul3A_473 : i32 to index
      %get3A_475 = tpu.vector_load %arg11[%get3A_474] {strides = array<i32>} : memref<20000xi32, #tpu.memory_space<vmem>>, vector<16xi32>,
      %mul3A_476 = arith.constant 16 : i32
      %mul3A_477 = arith.muli %add3A_471, %mul3A_476 : i32
      %get3A_478 = arith.index_cast %mul3A_477 : i32 to index
      %get3A_479 = tpu.vector_load %arg12[%get3A_478] {strides = array<i32>} : memref<20000xi32, #tpu.memory_space<vmem>>, vector<16xi32>,
      %gather3A_480 = tpu.vector_load_idx %arg10[%get3A_475] : memref<10240xf32, #tpu.memory_space<vmem>>[vector<16xi32>], vector<16xf32>,
      tpu.vector_store_idx %arg9[%get3A_479], %gather3A_480 {add = true} : memref<10240xf32, #tpu.memory_space<vmem>>[vector<16xi32>], vector<16xf32>,
      %scan3A_481 = arith.constant 30 : i32
      %scan3A_482 = arith.addi %scan3A_35, %scan3A_481 : i32
      %mul3A_483 = arith.constant 1 : i32
      %mul3A_484 = arith.muli %scan3A_482, %mul3A_483 : i32
      %add3A_485 = arith.constant 0 : i32
      %add3A_486 = arith.addi %add3A_485, %mul3A_484 : i32
      %mul3A_487 = arith.constant 16 : i32
      %mul3A_488 = arith.muli %add3A_486, %mul3A_487 : i32
      %get3A_489 = arith.index_cast %mul3A_488 : i32 to index
      %get3A_490 = tpu.vector_load %arg11[%get3A_489] {strides = array<i32>} : memref<20000xi32, #tpu.memory_space<vmem>>, vector<16xi32>,
      %mul3A_491 = arith.constant 16 : i32
      %mul3A_492 = arith.muli %add3A_486, %mul3A_491 : i32
      %get3A_493 = arith.index_cast %mul3A_492 : i32 to index
      %get3A_494 = tpu.vector_load %arg12[%get3A_493] {strides = array<i32>} : memref<20000xi32, #tpu.memory_space<vmem>>, vector<16xi32>,
      %gather3A_495 = tpu.vector_load_idx %arg10[%get3A_490] : memref<10240xf32, #tpu.memory_space<vmem>>[vector<16xi32>], vector<16xf32>,
      tpu.vector_store_idx %arg9[%get3A_494], %gather3A_495 {add = true} : memref<10240xf32, #tpu.memory_space<vmem>>[vector<16xi32>], vector<16xf32>,
      %scan3A_496 = arith.constant 31 : i32
      %scan3A_497 = arith.addi %scan3A_35, %scan3A_496 : i32
      %mul3A_498 = arith.constant 1 : i32
      %mul3A_499 = arith.muli %scan3A_497, %mul3A_498 : i32
      %add3A_500 = arith.constant 0 : i32
      %add3A_501 = arith.addi %add3A_500, %mul3A_499 : i32
      %mul3A_502 = arith.constant 16 : i32
      %mul3A_503 = arith.muli %add3A_501, %mul3A_502 : i32
      %get3A_504 = arith.index_cast %mul3A_503 : i32 to index
      %get3A_505 = tpu.vector_load %arg11[%get3A_504] {strides = array<i32>} : memref<20000xi32, #tpu.memory_space<vmem>>, vector<16xi32>,
      %mul3A_506 = arith.constant 16 : i32
      %mul3A_507 = arith.muli %add3A_501, %mul3A_506 : i32
      %get3A_508 = arith.index_cast %mul3A_507 : i32 to index
      %get3A_509 = tpu.vector_load %arg12[%get3A_508] {strides = array<i32>} : memref<20000xi32, #tpu.memory_space<vmem>>, vector<16xi32>,
      %gather3A_510 = tpu.vector_load_idx %arg10[%get3A_505] : memref<10240xf32, #tpu.memory_space<vmem>>[vector<16xi32>], vector<16xf32>,
      tpu.vector_store_idx %arg9[%get3A_509], %gather3A_510 {add = true} : memref<10240xf32, #tpu.memory_space<vmem>>[vector<16xi32>], vector<16xf32>,
      %scan3A_511 = arith.constant 32 : i32
      %scan3A_512 = arith.addi %scan3A_35, %scan3A_511 : i32
      %mul3A_513 = arith.constant 1 : i32
      %mul3A_514 = arith.muli %scan3A_512, %mul3A_513 : i32
      %add3A_515 = arith.constant 0 : i32
      %add3A_516 = arith.addi %add3A_515, %mul3A_514 : i32
      %mul3A_517 = arith.constant 16 : i32
      %mul3A_518 = arith.muli %add3A_516, %mul3A_517 : i32
      %get3A_519 = arith.index_cast %mul3A_518 : i32 to index
      %get3A_520 = tpu.vector_load %arg11[%get3A_519] {strides = array<i32>} : memref<20000xi32, #tpu.memory_space<vmem>>, vector<16xi32>,
      %mul3A_521 = arith.constant 16 : i32
      %mul3A_522 = arith.muli %add3A_516, %mul3A_521 : i32
      %get3A_523 = arith.index_cast %mul3A_522 : i32 to index
      %get3A_524 = tpu.vector_load %arg12[%get3A_523] {strides = array<i32>} : memref<20000xi32, #tpu.memory_space<vmem>>, vector<16xi32>,
      %gather3A_525 = tpu.vector_load_idx %arg10[%get3A_520] : memref<10240xf32, #tpu.memory_space<vmem>>[vector<16xi32>], vector<16xf32>,
      tpu.vector_store_idx %arg9[%get3A_524], %gather3A_525 {add = true} : memref<10240xf32, #tpu.memory_space<vmem>>[vector<16xi32>], vector<16xf32>,
      %scan3A_526 = arith.constant 33 : i32
      %scan3A_527 = arith.addi %scan3A_35, %scan3A_526 : i32
      %mul3A_528 = arith.constant 1 : i32
      %mul3A_529 = arith.muli %scan3A_527, %mul3A_528 : i32
      %add3A_530 = arith.constant 0 : i32
      %add3A_531 = arith.addi %add3A_530, %mul3A_529 : i32
      %mul3A_532 = arith.constant 16 : i32
      %mul3A_533 = arith.muli %add3A_531, %mul3A_532 : i32
      %get3A_534 = arith.index_cast %mul3A_533 : i32 to index
      %get3A_535 = tpu.vector_load %arg11[%get3A_534] {strides = array<i32>} : memref<20000xi32, #tpu.memory_space<vmem>>, vector<16xi32>,
      %mul3A_536 = arith.constant 16 : i32
      %mul3A_537 = arith.muli %add3A_531, %mul3A_536 : i32
      %get3A_538 = arith.index_cast %mul3A_537 : i32 to index
      %get3A_539 = tpu.vector_load %arg12[%get3A_538] {strides = array<i32>} : memref<20000xi32, #tpu.memory_space<vmem>>, vector<16xi32>,
      %gather3A_540 = tpu.vector_load_idx %arg10[%get3A_535] : memref<10240xf32, #tpu.memory_space<vmem>>[vector<16xi32>], vector<16xf32>,
      tpu.vector_store_idx %arg9[%get3A_539], %gather3A_540 {add = true} : memref<10240xf32, #tpu.memory_space<vmem>>[vector<16xi32>], vector<16xf32>,
      %scan3A_541 = arith.constant 34 : i32
      %scan3A_542 = arith.addi %scan3A_35, %scan3A_541 : i32
      %mul3A_543 = arith.constant 1 : i32
      %mul3A_544 = arith.muli %scan3A_542, %mul3A_543 : i32
      %add3A_545 = arith.constant 0 : i32
      %add3A_546 = arith.addi %add3A_545, %mul3A_544 : i32
      %mul3A_547 = arith.constant 16 : i32
      %mul3A_548 = arith.muli %add3A_546, %mul3A_547 : i32
      %get3A_549 = arith.index_cast %mul3A_548 : i32 to index
      %get3A_550 = tpu.vector_load %arg11[%get3A_549] {strides = array<i32>} : memref<20000xi32, #tpu.memory_space<vmem>>, vector<16xi32>,
      %mul3A_551 = arith.constant 16 : i32
      %mul3A_552 = arith.muli %add3A_546, %mul3A_551 : i32
      %get3A_553 = arith.index_cast %mul3A_552 : i32 to index
      %get3A_554 = tpu.vector_load %arg12[%get3A_553] {strides = array<i32>} : memref<20000xi32, #tpu.memory_space<vmem>>, vector<16xi32>,
      %gather3A_555 = tpu.vector_load_idx %arg10[%get3A_550] : memref<10240xf32, #tpu.memory_space<vmem>>[vector<16xi32>], vector<16xf32>,
      tpu.vector_store_idx %arg9[%get3A_554], %gather3A_555 {add = true} : memref<10240xf32, #tpu.memory_space<vmem>>[vector<16xi32>], vector<16xf32>,
      %scan3A_556 = arith.constant 35 : i32
      %scan3A_557 = arith.addi %scan3A_35, %scan3A_556 : i32
      %mul3A_558 = arith.constant 1 : i32
      %mul3A_559 = arith.muli %scan3A_557, %mul3A_558 : i32
      %add3A_560 = arith.constant 0 : i32
      %add3A_561 = arith.addi %add3A_560, %mul3A_559 : i32
      %mul3A_562 = arith.constant 16 : i32
      %mul3A_563 = arith.muli %add3A_561, %mul3A_562 : i32
      %get3A_564 = arith.index_cast %mul3A_563 : i32 to index
      %get3A_565 = tpu.vector_load %arg11[%get3A_564] {strides = array<i32>} : memref<20000xi32, #tpu.memory_space<vmem>>, vector<16xi32>,
      %mul3A_566 = arith.constant 16 : i32
      %mul3A_567 = arith.muli %add3A_561, %mul3A_566 : i32
      %get3A_568 = arith.index_cast %mul3A_567 : i32 to index
      %get3A_569 = tpu.vector_load %arg12[%get3A_568] {strides = array<i32>} : memref<20000xi32, #tpu.memory_space<vmem>>, vector<16xi32>,
      %gather3A_570 = tpu.vector_load_idx %arg10[%get3A_565] : memref<10240xf32, #tpu.memory_space<vmem>>[vector<16xi32>], vector<16xf32>,
      tpu.vector_store_idx %arg9[%get3A_569], %gather3A_570 {add = true} : memref<10240xf32, #tpu.memory_space<vmem>>[vector<16xi32>], vector<16xf32>,
      %scan3A_571 = arith.constant 36 : i32
      %scan3A_572 = arith.addi %scan3A_35, %scan3A_571 : i32
      %mul3A_573 = arith.constant 1 : i32
      %mul3A_574 = arith.muli %scan3A_572, %mul3A_573 : i32
      %add3A_575 = arith.constant 0 : i32
      %add3A_576 = arith.addi %add3A_575, %mul3A_574 : i32
      %mul3A_577 = arith.constant 16 : i32
      %mul3A_578 = arith.muli %add3A_576, %mul3A_577 : i32
      %get3A_579 = arith.index_cast %mul3A_578 : i32 to index
      %get3A_580 = tpu.vector_load %arg11[%get3A_579] {strides = array<i32>} : memref<20000xi32, #tpu.memory_space<vmem>>, vector<16xi32>,
      %mul3A_581 = arith.constant 16 : i32
      %mul3A_582 = arith.muli %add3A_576, %mul3A_581 : i32
      %get3A_583 = arith.index_cast %mul3A_582 : i32 to index
      %get3A_584 = tpu.vector_load %arg12[%get3A_583] {strides = array<i32>} : memref<20000xi32, #tpu.memory_space<vmem>>, vector<16xi32>,
      %gather3A_585 = tpu.vector_load_idx %arg10[%get3A_580] : memref<10240xf32, #tpu.memory_space<vmem>>[vector<16xi32>], vector<16xf32>,
      tpu.vector_store_idx %arg9[%get3A_584], %gather3A_585 {add = true} : memref<10240xf32, #tpu.memory_space<vmem>>[vector<16xi32>], vector<16xf32>,
      %scan3A_586 = arith.constant 37 : i32
      %scan3A_587 = arith.addi %scan3A_35, %scan3A_586 : i32
      %mul3A_588 = arith.constant 1 : i32
      %mul3A_589 = arith.muli %scan3A_587, %mul3A_588 : i32
      %add3A_590 = arith.constant 0 : i32
      %add3A_591 = arith.addi %add3A_590, %mul3A_589 : i32
      %mul3A_592 = arith.constant 16 : i32
      %mul3A_593 = arith.muli %add3A_591, %mul3A_592 : i32
      %get3A_594 = arith.index_cast %mul3A_593 : i32 to index
      %get3A_595 = tpu.vector_load %arg11[%get3A_594] {strides = array<i32>} : memref<20000xi32, #tpu.memory_space<vmem>>, vector<16xi32>,
      %mul3A_596 = arith.constant 16 : i32
      %mul3A_597 = arith.muli %add3A_591, %mul3A_596 : i32
      %get3A_598 = arith.index_cast %mul3A_597 : i32 to index
      %get3A_599 = tpu.vector_load %arg12[%get3A_598] {strides = array<i32>} : memref<20000xi32, #tpu.memory_space<vmem>>, vector<16xi32>,
      %gather3A_600 = tpu.vector_load_idx %arg10[%get3A_595] : memref<10240xf32, #tpu.memory_space<vmem>>[vector<16xi32>], vector<16xf32>,
      tpu.vector_store_idx %arg9[%get3A_599], %gather3A_600 {add = true} : memref<10240xf32, #tpu.memory_space<vmem>>[vector<16xi32>], vector<16xf32>,
      %scan3A_601 = arith.constant 38 : i32
      %scan3A_602 = arith.addi %scan3A_35, %scan3A_601 : i32
      %mul3A_603 = arith.constant 1 : i32
      %mul3A_604 = arith.muli %scan3A_602, %mul3A_603 : i32
      %add3A_605 = arith.constant 0 : i32
      %add3A_606 = arith.addi %add3A_605, %mul3A_604 : i32
      %mul3A_607 = arith.constant 16 : i32
      %mul3A_608 = arith.muli %add3A_606, %mul3A_607 : i32
      %get3A_609 = arith.index_cast %mul3A_608 : i32 to index
      %get3A_610 = tpu.vector_load %arg11[%get3A_609] {strides = array<i32>} : memref<20000xi32, #tpu.memory_space<vmem>>, vector<16xi32>,
      %mul3A_611 = arith.constant 16 : i32
      %mul3A_612 = arith.muli %add3A_606, %mul3A_611 : i32
      %get3A_613 = arith.index_cast %mul3A_612 : i32 to index
      %get3A_614 = tpu.vector_load %arg12[%get3A_613] {strides = array<i32>} : memref<20000xi32, #tpu.memory_space<vmem>>, vector<16xi32>,
      %gather3A_615 = tpu.vector_load_idx %arg10[%get3A_610] : memref<10240xf32, #tpu.memory_space<vmem>>[vector<16xi32>], vector<16xf32>,
      tpu.vector_store_idx %arg9[%get3A_614], %gather3A_615 {add = true} : memref<10240xf32, #tpu.memory_space<vmem>>[vector<16xi32>], vector<16xf32>,
      %scan3A_616 = arith.constant 39 : i32
      %scan3A_617 = arith.addi %scan3A_35, %scan3A_616 : i32
      %mul3A_618 = arith.constant 1 : i32
      %mul3A_619 = arith.muli %scan3A_617, %mul3A_618 : i32
      %add3A_620 = arith.constant 0 : i32
      %add3A_621 = arith.addi %add3A_620, %mul3A_619 : i32
      %mul3A_622 = arith.constant 16 : i32
      %mul3A_623 = arith.muli %add3A_621, %mul3A_622 : i32
      %get3A_624 = arith.index_cast %mul3A_623 : i32 to index
      %get3A_625 = tpu.vector_load %arg11[%get3A_624] {strides = array<i32>} : memref<20000xi32, #tpu.memory_space<vmem>>, vector<16xi32>,
      %mul3A_626 = arith.constant 16 : i32
      %mul3A_627 = arith.muli %add3A_621, %mul3A_626 : i32
      %get3A_628 = arith.index_cast %mul3A_627 : i32 to index
      %get3A_629 = tpu.vector_load %arg12[%get3A_628] {strides = array<i32>} : memref<20000xi32, #tpu.memory_space<vmem>>, vector<16xi32>,
      %gather3A_630 = tpu.vector_load_idx %arg10[%get3A_625] : memref<10240xf32, #tpu.memory_space<vmem>>[vector<16xi32>], vector<16xf32>,
      tpu.vector_store_idx %arg9[%get3A_629], %gather3A_630 {add = true} : memref<10240xf32, #tpu.memory_space<vmem>>[vector<16xi32>], vector<16xf32>,
      %scan3A_631 = arith.constant 40 : i32
      %scan3A_632 = arith.addi %scan3A_35, %scan3A_631 : i32
      %mul3A_633 = arith.constant 1 : i32
      %mul3A_634 = arith.muli %scan3A_632, %mul3A_633 : i32
      %add3A_635 = arith.constant 0 : i32
      %add3A_636 = arith.addi %add3A_635, %mul3A_634 : i32
      %mul3A_637 = arith.constant 16 : i32
      %mul3A_638 = arith.muli %add3A_636, %mul3A_637 : i32
      %get3A_639 = arith.index_cast %mul3A_638 : i32 to index
      %get3A_640 = tpu.vector_load %arg11[%get3A_639] {strides = array<i32>} : memref<20000xi32, #tpu.memory_space<vmem>>, vector<16xi32>,
      %mul3A_641 = arith.constant 16 : i32
      %mul3A_642 = arith.muli %add3A_636, %mul3A_641 : i32
      %get3A_643 = arith.index_cast %mul3A_642 : i32 to index
      %get3A_644 = tpu.vector_load %arg12[%get3A_643] {strides = array<i32>} : memref<20000xi32, #tpu.memory_space<vmem>>, vector<16xi32>,
      %gather3A_645 = tpu.vector_load_idx %arg10[%get3A_640] : memref<10240xf32, #tpu.memory_space<vmem>>[vector<16xi32>], vector<16xf32>,
      tpu.vector_store_idx %arg9[%get3A_644], %gather3A_645 {add = true} : memref<10240xf32, #tpu.memory_space<vmem>>[vector<16xi32>], vector<16xf32>,
      %scan3A_646 = arith.constant 41 : i32
      %scan3A_647 = arith.addi %scan3A_35, %scan3A_646 : i32
      %mul3A_648 = arith.constant 1 : i32
      %mul3A_649 = arith.muli %scan3A_647, %mul3A_648 : i32
      %add3A_650 = arith.constant 0 : i32
      %add3A_651 = arith.addi %add3A_650, %mul3A_649 : i32
      %mul3A_652 = arith.constant 16 : i32
      %mul3A_653 = arith.muli %add3A_651, %mul3A_652 : i32
      %get3A_654 = arith.index_cast %mul3A_653 : i32 to index
      %get3A_655 = tpu.vector_load %arg11[%get3A_654] {strides = array<i32>} : memref<20000xi32, #tpu.memory_space<vmem>>, vector<16xi32>,
      %mul3A_656 = arith.constant 16 : i32
      %mul3A_657 = arith.muli %add3A_651, %mul3A_656 : i32
      %get3A_658 = arith.index_cast %mul3A_657 : i32 to index
      %get3A_659 = tpu.vector_load %arg12[%get3A_658] {strides = array<i32>} : memref<20000xi32, #tpu.memory_space<vmem>>, vector<16xi32>,
      %gather3A_660 = tpu.vector_load_idx %arg10[%get3A_655] : memref<10240xf32, #tpu.memory_space<vmem>>[vector<16xi32>], vector<16xf32>,
      tpu.vector_store_idx %arg9[%get3A_659], %gather3A_660 {add = true} : memref<10240xf32, #tpu.memory_space<vmem>>[vector<16xi32>], vector<16xf32>,
      %scan3A_661 = arith.constant 42 : i32
      %scan3A_662 = arith.addi %scan3A_35, %scan3A_661 : i32
      %mul3A_663 = arith.constant 1 : i32
      %mul3A_664 = arith.muli %scan3A_662, %mul3A_663 : i32
      %add3A_665 = arith.constant 0 : i32
      %add3A_666 = arith.addi %add3A_665, %mul3A_664 : i32
      %mul3A_667 = arith.constant 16 : i32
      %mul3A_668 = arith.muli %add3A_666, %mul3A_667 : i32
      %get3A_669 = arith.index_cast %mul3A_668 : i32 to index
      %get3A_670 = tpu.vector_load %arg11[%get3A_669] {strides = array<i32>} : memref<20000xi32, #tpu.memory_space<vmem>>, vector<16xi32>,
      %mul3A_671 = arith.constant 16 : i32
      %mul3A_672 = arith.muli %add3A_666, %mul3A_671 : i32
      %get3A_673 = arith.index_cast %mul3A_672 : i32 to index
      %get3A_674 = tpu.vector_load %arg12[%get3A_673] {strides = array<i32>} : memref<20000xi32, #tpu.memory_space<vmem>>, vector<16xi32>,
      %gather3A_675 = tpu.vector_load_idx %arg10[%get3A_670] : memref<10240xf32, #tpu.memory_space<vmem>>[vector<16xi32>], vector<16xf32>,
      tpu.vector_store_idx %arg9[%get3A_674], %gather3A_675 {add = true} : memref<10240xf32, #tpu.memory_space<vmem>>[vector<16xi32>], vector<16xf32>,
      %scan3A_676 = arith.constant 43 : i32
      %scan3A_677 = arith.addi %scan3A_35, %scan3A_676 : i32
      %mul3A_678 = arith.constant 1 : i32
      %mul3A_679 = arith.muli %scan3A_677, %mul3A_678 : i32
      %add3A_680 = arith.constant 0 : i32
      %add3A_681 = arith.addi %add3A_680, %mul3A_679 : i32
      %mul3A_682 = arith.constant 16 : i32
      %mul3A_683 = arith.muli %add3A_681, %mul3A_682 : i32
      %get3A_684 = arith.index_cast %mul3A_683 : i32 to index
      %get3A_685 = tpu.vector_load %arg11[%get3A_684] {strides = array<i32>} : memref<20000xi32, #tpu.memory_space<vmem>>, vector<16xi32>,
      %mul3A_686 = arith.constant 16 : i32
      %mul3A_687 = arith.muli %add3A_681, %mul3A_686 : i32
      %get3A_688 = arith.index_cast %mul3A_687 : i32 to index
      %get3A_689 = tpu.vector_load %arg12[%get3A_688] {strides = array<i32>} : memref<20000xi32, #tpu.memory_space<vmem>>, vector<16xi32>,
      %gather3A_690 = tpu.vector_load_idx %arg10[%get3A_685] : memref<10240xf32, #tpu.memory_space<vmem>>[vector<16xi32>], vector<16xf32>,
      tpu.vector_store_idx %arg9[%get3A_689], %gather3A_690 {add = true} : memref<10240xf32, #tpu.memory_space<vmem>>[vector<16xi32>], vector<16xf32>,
      %scan3A_691 = arith.constant 44 : i32
      %scan3A_692 = arith.addi %scan3A_35, %scan3A_691 : i32
      %mul3A_693 = arith.constant 1 : i32
      %mul3A_694 = arith.muli %scan3A_692, %mul3A_693 : i32
      %add3A_695 = arith.constant 0 : i32
      %add3A_696 = arith.addi %add3A_695, %mul3A_694 : i32
      %mul3A_697 = arith.constant 16 : i32
      %mul3A_698 = arith.muli %add3A_696, %mul3A_697 : i32
      %get3A_699 = arith.index_cast %mul3A_698 : i32 to index
      %get3A_700 = tpu.vector_load %arg11[%get3A_699] {strides = array<i32>} : memref<20000xi32, #tpu.memory_space<vmem>>, vector<16xi32>,
      %mul3A_701 = arith.constant 16 : i32
      %mul3A_702 = arith.muli %add3A_696, %mul3A_701 : i32
      %get3A_703 = arith.index_cast %mul3A_702 : i32 to index
      %get3A_704 = tpu.vector_load %arg12[%get3A_703] {strides = array<i32>} : memref<20000xi32, #tpu.memory_space<vmem>>, vector<16xi32>,
      %gather3A_705 = tpu.vector_load_idx %arg10[%get3A_700] : memref<10240xf32, #tpu.memory_space<vmem>>[vector<16xi32>], vector<16xf32>,
      tpu.vector_store_idx %arg9[%get3A_704], %gather3A_705 {add = true} : memref<10240xf32, #tpu.memory_space<vmem>>[vector<16xi32>], vector<16xf32>,
      %scan3A_706 = arith.constant 45 : i32
      %scan3A_707 = arith.addi %scan3A_35, %scan3A_706 : i32
      %mul3A_708 = arith.constant 1 : i32
      %mul3A_709 = arith.muli %scan3A_707, %mul3A_708 : i32
      %add3A_710 = arith.constant 0 : i32
      %add3A_711 = arith.addi %add3A_710, %mul3A_709 : i32
      %mul3A_712 = arith.constant 16 : i32
      %mul3A_713 = arith.muli %add3A_711, %mul3A_712 : i32
      %get3A_714 = arith.index_cast %mul3A_713 : i32 to index
      %get3A_715 = tpu.vector_load %arg11[%get3A_714] {strides = array<i32>} : memref<20000xi32, #tpu.memory_space<vmem>>, vector<16xi32>,
      %mul3A_716 = arith.constant 16 : i32
      %mul3A_717 = arith.muli %add3A_711, %mul3A_716 : i32
      %get3A_718 = arith.index_cast %mul3A_717 : i32 to index
      %get3A_719 = tpu.vector_load %arg12[%get3A_718] {strides = array<i32>} : memref<20000xi32, #tpu.memory_space<vmem>>, vector<16xi32>,
      %gather3A_720 = tpu.vector_load_idx %arg10[%get3A_715] : memref<10240xf32, #tpu.memory_space<vmem>>[vector<16xi32>], vector<16xf32>,
      tpu.vector_store_idx %arg9[%get3A_719], %gather3A_720 {add = true} : memref<10240xf32, #tpu.memory_space<vmem>>[vector<16xi32>], vector<16xf32>,
      %scan3A_721 = arith.constant 46 : i32
      %scan3A_722 = arith.addi %scan3A_35, %scan3A_721 : i32
      %mul3A_723 = arith.constant 1 : i32
      %mul3A_724 = arith.muli %scan3A_722, %mul3A_723 : i32
      %add3A_725 = arith.constant 0 : i32
      %add3A_726 = arith.addi %add3A_725, %mul3A_724 : i32
      %mul3A_727 = arith.constant 16 : i32
      %mul3A_728 = arith.muli %add3A_726, %mul3A_727 : i32
      %get3A_729 = arith.index_cast %mul3A_728 : i32 to index
      %get3A_730 = tpu.vector_load %arg11[%get3A_729] {strides = array<i32>} : memref<20000xi32, #tpu.memory_space<vmem>>, vector<16xi32>,
      %mul3A_731 = arith.constant 16 : i32
      %mul3A_732 = arith.muli %add3A_726, %mul3A_731 : i32
      %get3A_733 = arith.index_cast %mul3A_732 : i32 to index
      %get3A_734 = tpu.vector_load %arg12[%get3A_733] {strides = array<i32>} : memref<20000xi32, #tpu.memory_space<vmem>>, vector<16xi32>,
      %gather3A_735 = tpu.vector_load_idx %arg10[%get3A_730] : memref<10240xf32, #tpu.memory_space<vmem>>[vector<16xi32>], vector<16xf32>,
      tpu.vector_store_idx %arg9[%get3A_734], %gather3A_735 {add = true} : memref<10240xf32, #tpu.memory_space<vmem>>[vector<16xi32>], vector<16xf32>,
      %scan3A_736 = arith.constant 47 : i32
      %scan3A_737 = arith.addi %scan3A_35, %scan3A_736 : i32
      %mul3A_738 = arith.constant 1 : i32
      %mul3A_739 = arith.muli %scan3A_737, %mul3A_738 : i32
      %add3A_740 = arith.constant 0 : i32
      %add3A_741 = arith.addi %add3A_740, %mul3A_739 : i32
      %mul3A_742 = arith.constant 16 : i32
      %mul3A_743 = arith.muli %add3A_741, %mul3A_742 : i32
      %get3A_744 = arith.index_cast %mul3A_743 : i32 to index
      %get3A_745 = tpu.vector_load %arg11[%get3A_744] {strides = array<i32>} : memref<20000xi32, #tpu.memory_space<vmem>>, vector<16xi32>,
      %mul3A_746 = arith.constant 16 : i32
      %mul3A_747 = arith.muli %add3A_741, %mul3A_746 : i32
      %get3A_748 = arith.index_cast %mul3A_747 : i32 to index
      %get3A_749 = tpu.vector_load %arg12[%get3A_748] {strides = array<i32>} : memref<20000xi32, #tpu.memory_space<vmem>>, vector<16xi32>,
      %gather3A_750 = tpu.vector_load_idx %arg10[%get3A_745] : memref<10240xf32, #tpu.memory_space<vmem>>[vector<16xi32>], vector<16xf32>,
      tpu.vector_store_idx %arg9[%get3A_749], %gather3A_750 {add = true} : memref<10240xf32, #tpu.memory_space<vmem>>[vector<16xi32>], vector<16xf32>,
      %scan3A_751 = arith.constant 48 : i32
      %scan3A_752 = arith.addi %scan3A_35, %scan3A_751 : i32
      %mul3A_753 = arith.constant 1 : i32
      %mul3A_754 = arith.muli %scan3A_752, %mul3A_753 : i32
      %add3A_755 = arith.constant 0 : i32
      %add3A_756 = arith.addi %add3A_755, %mul3A_754 : i32
      %mul3A_757 = arith.constant 16 : i32
      %mul3A_758 = arith.muli %add3A_756, %mul3A_757 : i32
      %get3A_759 = arith.index_cast %mul3A_758 : i32 to index
      %get3A_760 = tpu.vector_load %arg11[%get3A_759] {strides = array<i32>} : memref<20000xi32, #tpu.memory_space<vmem>>, vector<16xi32>,
      %mul3A_761 = arith.constant 16 : i32
      %mul3A_762 = arith.muli %add3A_756, %mul3A_761 : i32
      %get3A_763 = arith.index_cast %mul3A_762 : i32 to index
      %get3A_764 = tpu.vector_load %arg12[%get3A_763] {strides = array<i32>} : memref<20000xi32, #tpu.memory_space<vmem>>, vector<16xi32>,
      %gather3A_765 = tpu.vector_load_idx %arg10[%get3A_760] : memref<10240xf32, #tpu.memory_space<vmem>>[vector<16xi32>], vector<16xf32>,
      tpu.vector_store_idx %arg9[%get3A_764], %gather3A_765 {add = true} : memref<10240xf32, #tpu.memory_space<vmem>>[vector<16xi32>], vector<16xf32>,
      %scan3A_766 = arith.constant 49 : i32
      %scan3A_767 = arith.addi %scan3A_35, %scan3A_766 : i32
      %mul3A_768 = arith.constant 1 : i32
      %mul3A_769 = arith.muli %scan3A_767, %mul3A_768 : i32
      %add3A_770 = arith.constant 0 : i32
      %add3A_771 = arith.addi %add3A_770, %mul3A_769 : i32
      %mul3A_772 = arith.constant 16 : i32
      %mul3A_773 = arith.muli %add3A_771, %mul3A_772 : i32
      %get3A_774 = arith.index_cast %mul3A_773 : i32 to index
      %get3A_775 = tpu.vector_load %arg11[%get3A_774] {strides = array<i32>} : memref<20000xi32, #tpu.memory_space<vmem>>, vector<16xi32>,
      %mul3A_776 = arith.constant 16 : i32
      %mul3A_777 = arith.muli %add3A_771, %mul3A_776 : i32
      %get3A_778 = arith.index_cast %mul3A_777 : i32 to index
      %get3A_779 = tpu.vector_load %arg12[%get3A_778] {strides = array<i32>} : memref<20000xi32, #tpu.memory_space<vmem>>, vector<16xi32>,
      %gather3A_780 = tpu.vector_load_idx %arg10[%get3A_775] : memref<10240xf32, #tpu.memory_space<vmem>>[vector<16xi32>], vector<16xf32>,
      tpu.vector_store_idx %arg9[%get3A_779], %gather3A_780 {add = true} : memref<10240xf32, #tpu.memory_space<vmem>>[vector<16xi32>], vector<16xf32>,
    }
    %scan3A_34 = arith.constant 1250 : i32
    "tpu.region"() ({
      %run_scoped3A = tpu.sem_alloc : memref<!tpu.dma_semaphore, #tpu.memory_space<semaphore_mem>>
      %dma_start3A = arith.constant 0 : i32
      %dma_start3A_35 = tpu.memref_slice %arg7[%arg1, %dma_start3A] : memref<16x10240xf32, #tpu.memory_space<hbm>> -> memref<1x10240xf32, #tpu.memory_space<hbm>>
      %dma_start3A_36 = tpu.memref_squeeze %dma_start3A_35 : memref<1x10240xf32, #tpu.memory_space<hbm>> -> memref<10240xf32, #tpu.memory_space<hbm>>
      %dma_start3A_37 = arith.constant 0 : i32
      %dma_start3A_38 = tpu.memref_slice %arg7[%arg1, %dma_start3A_37] : memref<16x10240xf32, #tpu.memory_space<hbm>> -> memref<1x10240xf32, #tpu.memory_space<hbm>>
      %dma_start3A_39 = tpu.memref_squeeze %dma_start3A_38 : memref<1x10240xf32, #tpu.memory_space<hbm>> -> memref<10240xf32, #tpu.memory_space<hbm>>
      tpu.enqueue_dma source(%arg9 : memref<10240xf32, #tpu.memory_space<vmem>>) target(%dma_start3A_39 : memref<10240xf32, #tpu.memory_space<hbm>>) target_semaphore(%run_scoped3A : memref<!tpu.dma_semaphore, #tpu.memory_space<semaphore_mem>>)
      %dma_wait3A = arith.constant 0 : i32
      %dma_wait3A_40 = tpu.memref_slice %arg7[%arg1, %dma_wait3A] : memref<16x10240xf32, #tpu.memory_space<hbm>> -> memref<1x10240xf32, #tpu.memory_space<hbm>>
      %dma_wait3A_41 = tpu.memref_squeeze %dma_wait3A_40 : memref<1x10240xf32, #tpu.memory_space<hbm>> -> memref<10240xf32, #tpu.memory_space<hbm>>
      %dma_wait3A_42 = arith.constant 0 : i32
      %dma_wait3A_43 = tpu.memref_slice %arg7[%arg1, %dma_wait3A_42] : memref<16x10240xf32, #tpu.memory_space<hbm>> -> memref<1x10240xf32, #tpu.memory_space<hbm>>
      %dma_wait3A_44 = tpu.memref_squeeze %dma_wait3A_43 : memref<1x10240xf32, #tpu.memory_space<hbm>> -> memref<10240xf32, #tpu.memory_space<hbm>>
      tpu.wait_dma2 semaphore(%run_scoped3A : memref<!tpu.dma_semaphore, #tpu.memory_space<semaphore_mem>>) src(%arg9 : memref<10240xf32, #tpu.memory_space<vmem>>) dst(%dma_wait3A_44 : memref<10240xf32, #tpu.memory_space<hbm>>)
      tpu.yield
    }) : () -> ()
    return
  }
}

module attributes {stable_mosaic.version = 14 : i64} {
  func.func @_head_body(%arg0: memref<16x10240xf32, #tpu.memory_space<vmem>>, %arg1: memref<1x10240xf32, #tpu.memory_space<vmem>>, %arg2: memref<1x10240xf32, #tpu.memory_space<vmem>>, %arg3: memref<1x10240xi32, #tpu.memory_space<vmem>>, %arg4: memref<10240x1xi8, #tpu.memory_space<vmem>>, %arg5: memref<256x1xf32, #tpu.memory_space<vmem>>, %arg6: memref<256x1xf32, #tpu.memory_space<vmem>>, %arg7: memref<256x1xf32, #tpu.memory_space<vmem>>, %arg8: memref<256x1xf32, #tpu.memory_space<vmem>>, %arg9: memref<128x256xf32, #tpu.memory_space<vmem>>, %arg10: memref<128x7xf32, #tpu.memory_space<vmem>>, %arg11: memref<128x1xf32, #tpu.memory_space<vmem>>, %arg12: memref<7x64xf32, #tpu.memory_space<vmem>>, %arg13: memref<2x128xf32, #tpu.memory_space<vmem>>, %arg14: memref<2x1xf32, #tpu.memory_space<vmem>>, %arg15: memref<2x64xf32, #tpu.memory_space<vmem>>) attributes {dimension_semantics = [], scalar_prefetch = 0 : i64, scratch_operands = 0 : i64, tpu.core_type = #tpu.core_type<tc>} {
    %get3A = arith.constant 0 : index
    %get3A_0 = arith.constant 0 : index
    %get3A_1 = vector.load %arg0[%get3A, %get3A_0] : memref<16x10240xf32, #tpu.memory_space<vmem>>, vector<16x10240xf32>
    %reduce_sum3A = arith.constant dense<0.000000e+00> : vector<10240xf32>
    %reduce_sum3A_2 = vector.multi_reduction <add>, %get3A_1, %reduce_sum3A [0] : vector<16x10240xf32> to vector<10240xf32>
    %broadcast_in_dim3A = vector.shape_cast %reduce_sum3A_2 : vector<10240xf32> to vector<1x10240xf32>
    %get3A_3 = arith.constant 0 : index
    %get3A_4 = arith.constant 0 : index
    %get3A_5 = vector.load %arg2[%get3A_3, %get3A_4] : memref<1x10240xf32, #tpu.memory_space<vmem>>, vector<1x10240xf32>
    %get3A_6 = arith.constant 0 : index
    %get3A_7 = arith.constant 0 : index
    %get3A_8 = vector.load %arg1[%get3A_6, %get3A_7] : memref<1x10240xf32, #tpu.memory_space<vmem>>, vector<1x10240xf32>
    %add3A = arith.addf %broadcast_in_dim3A, %get3A_8 : vector<1x10240xf32>
    %mul3A = arith.mulf %get3A_5, %add3A : vector<1x10240xf32>
    %get3A_9 = arith.constant 0 : index
    %get3A_10 = arith.constant 0 : index
    %get3A_11 = vector.load %arg5[%get3A_9, %get3A_10] : memref<256x1xf32, #tpu.memory_space<vmem>>, vector<256x1xf32>
    %mul3A_12 = vector.broadcast %get3A_11 : vector<256x1xf32> to vector<256x10240xf32>
    %mul3A_13 = vector.broadcast %mul3A : vector<1x10240xf32> to vector<256x10240xf32>
    %mul3A_14 = arith.mulf %mul3A_12, %mul3A_13 : vector<256x10240xf32>
    %get3A_15 = arith.constant 0 : index
    %get3A_16 = arith.constant 0 : index
    %get3A_17 = vector.load %arg6[%get3A_15, %get3A_16] : memref<256x1xf32, #tpu.memory_space<vmem>>, vector<256x1xf32>
    %add3A_18 = vector.broadcast %get3A_17 : vector<256x1xf32> to vector<256x10240xf32>
    %add3A_19 = arith.addf %mul3A_14, %add3A_18 : vector<256x10240xf32>
    %integer_pow3A = arith.mulf %add3A_19, %add3A_19 : vector<256x10240xf32>
    %integer_pow3A_20 = arith.mulf %add3A_19, %integer_pow3A : vector<256x10240xf32>
    %mul3A_21 = arith.constant 4.471500e-02 : f32
    %mul3A_22 = vector.broadcast %mul3A_21 : f32 to vector<256x10240xf32>
    %mul3A_23 = arith.mulf %mul3A_22, %integer_pow3A_20 : vector<256x10240xf32>
    %add3A_24 = arith.addf %add3A_19, %mul3A_23 : vector<256x10240xf32>
    %mul3A_25 = arith.constant 0.797884583 : f32
    %mul3A_26 = vector.broadcast %mul3A_25 : f32 to vector<256x10240xf32>
    %mul3A_27 = arith.mulf %mul3A_26, %add3A_24 : vector<256x10240xf32>
    %tanh3A = math.tanh %mul3A_27 : vector<256x10240xf32>
    %add3A_28 = arith.constant 1.000000e+00 : f32
    %add3A_29 = vector.broadcast %add3A_28 : f32 to vector<256x10240xf32>
    %add3A_30 = arith.addf %add3A_29, %tanh3A : vector<256x10240xf32>
    %mul3A_31 = arith.constant 5.000000e-01 : f32
    %mul3A_32 = vector.broadcast %mul3A_31 : f32 to vector<256x10240xf32>
    %mul3A_33 = arith.mulf %mul3A_32, %add3A_30 : vector<256x10240xf32>
    %mul3A_34 = arith.mulf %add3A_19, %mul3A_33 : vector<256x10240xf32>
    %get3A_35 = arith.constant 0 : index
    %get3A_36 = arith.constant 0 : index
    %get3A_37 = vector.load %arg3[%get3A_35, %get3A_36] : memref<1x10240xi32, #tpu.memory_space<vmem>>, vector<1x10240xi32>
    %lt3A = arith.constant 64 : i32
    %lt3A_38 = vector.broadcast %lt3A : i32 to vector<1x10240xi32>
    %lt3A_39 = arith.cmpi slt, %get3A_37, %lt3A_38 : vector<1x10240xi32>
    %convert_element_type3A = arith.extui %lt3A_39 : vector<1x10240xi1> to vector<1x10240xi32>
    %convert_element_type3A_40 = arith.sitofp %convert_element_type3A : vector<1x10240xi32> to vector<1x10240xf32>
    %mul3A_41 = vector.broadcast %convert_element_type3A_40 : vector<1x10240xf32> to vector<256x10240xf32>
    %mul3A_42 = arith.mulf %mul3A_34, %mul3A_41 : vector<256x10240xf32>
    %reduce_sum3A_43 = arith.constant dense<0.000000e+00> : vector<256xf32>
    %reduce_sum3A_44 = vector.multi_reduction <add>, %mul3A_42, %reduce_sum3A_43 [1] : vector<256x10240xf32> to vector<256xf32>
    %broadcast_in_dim3A_45 = vector.shape_cast %reduce_sum3A_44 : vector<256xf32> to vector<256x1xf32>
    %mul3A_46 = arith.mulf %mul3A_42, %mul3A_42 : vector<256x10240xf32>
    %reduce_sum3A_47 = arith.constant dense<0.000000e+00> : vector<256xf32>
    %reduce_sum3A_48 = vector.multi_reduction <add>, %mul3A_46, %reduce_sum3A_47 [1] : vector<256x10240xf32> to vector<256xf32>
    %broadcast_in_dim3A_49 = vector.shape_cast %reduce_sum3A_48 : vector<256xf32> to vector<256x1xf32>
    %iota3A = tpu.iota {dimensions = array<i32: 1>} : vector<10240x64xi32>
    %get3A_50 = arith.constant 0 : index
    %get3A_51 = arith.constant 0 : index
    %get3A_52 = vector.load %arg4[%get3A_50, %get3A_51] : memref<10240x1xi8, #tpu.memory_space<vmem>>, vector<10240x1xi8>
    %convert_element_type3A_53 = arith.extsi %get3A_52 : vector<10240x1xi8> to vector<10240x1xi32>
    %eq3A = vector.broadcast %convert_element_type3A_53 : vector<10240x1xi32> to vector<10240x64xi32>
    %eq3A_54 = arith.cmpi eq, %eq3A, %iota3A : vector<10240x64xi32>
    %convert_element_type3A_55 = arith.extui %eq3A_54 : vector<10240x64xi1> to vector<10240x64xi32>
    %convert_element_type3A_56 = arith.sitofp %convert_element_type3A_55 : vector<10240x64xi32> to vector<10240x64xf32>
    %dot_general3A = arith.constant dense<0.000000e+00> : vector<256x64xf32>
    %dot_general3A_57 = tpu.matmul %mul3A_34, %convert_element_type3A_56, %dot_general3A {dimension_numbers = #tpu.dot_dimension_numbers<[1], [0], [0], [1], [0, 0, 1, 1], [], []>, precision = #tpu.contract_precision<fp32>, transpose_lhs_hint = false} : vector<256x10240xf32>, vector<10240x64xf32>, vector<256x64xf32> -> vector<256x64xf32>
    %reduce_sum3A_58 = arith.constant dense<0.000000e+00> : vector<64xf32>
    %reduce_sum3A_59 = vector.multi_reduction <add>, %convert_element_type3A_56, %reduce_sum3A_58 [0] : vector<10240x64xf32> to vector<64xf32>
    %broadcast_in_dim3A_60 = vector.shape_cast %reduce_sum3A_59 : vector<64xf32> to vector<1x64xf32>
    %mul3A_61 = arith.constant 9.99999974E-5 : f32
    %mul3A_62 = vector.broadcast %mul3A_61 : f32 to vector<256x1xf32>
    %mul3A_63 = arith.mulf %broadcast_in_dim3A_45, %mul3A_62 : vector<256x1xf32>
    %mul3A_64 = arith.constant 9.99999974E-5 : f32
    %mul3A_65 = vector.broadcast %mul3A_64 : f32 to vector<256x1xf32>
    %mul3A_66 = arith.mulf %broadcast_in_dim3A_49, %mul3A_65 : vector<256x1xf32>
    %mul3A_67 = arith.mulf %mul3A_63, %mul3A_63 : vector<256x1xf32>
    %sub3A = arith.subf %mul3A_66, %mul3A_67 : vector<256x1xf32>
    %max3A = arith.constant 1.000000e+00 : f32
    %max3A_68 = vector.broadcast %max3A : f32 to vector<1x64xf32>
    %max3A_69 = arith.maximumf %broadcast_in_dim3A_60, %max3A_68 : vector<1x64xf32>
    %div3A = vector.broadcast %max3A_69 : vector<1x64xf32> to vector<256x64xf32>
    %div3A_70 = arith.divf %dot_general3A_57, %div3A : vector<256x64xf32>
    %sub3A_71 = vector.broadcast %mul3A_63 : vector<256x1xf32> to vector<256x64xf32>
    %sub3A_72 = arith.subf %div3A_70, %sub3A_71 : vector<256x64xf32>
    %add3A_73 = arith.constant 9.99999974E-6 : f32
    %add3A_74 = vector.broadcast %add3A_73 : f32 to vector<256x1xf32>
    %add3A_75 = arith.addf %sub3A, %add3A_74 : vector<256x1xf32>
    %rsqrt3A = math.rsqrt %add3A_75 : vector<256x1xf32>
    %mul3A_76 = vector.broadcast %rsqrt3A : vector<256x1xf32> to vector<256x64xf32>
    %mul3A_77 = arith.mulf %sub3A_72, %mul3A_76 : vector<256x64xf32>
    %get3A_78 = arith.constant 0 : index
    %get3A_79 = arith.constant 0 : index
    %get3A_80 = vector.load %arg7[%get3A_78, %get3A_79] : memref<256x1xf32, #tpu.memory_space<vmem>>, vector<256x1xf32>
    %mul3A_81 = vector.broadcast %get3A_80 : vector<256x1xf32> to vector<256x64xf32>
    %mul3A_82 = arith.mulf %mul3A_77, %mul3A_81 : vector<256x64xf32>
    %get3A_83 = arith.constant 0 : index
    %get3A_84 = arith.constant 0 : index
    %get3A_85 = vector.load %arg8[%get3A_83, %get3A_84] : memref<256x1xf32, #tpu.memory_space<vmem>>, vector<256x1xf32>
    %add3A_86 = vector.broadcast %get3A_85 : vector<256x1xf32> to vector<256x64xf32>
    %add3A_87 = arith.addf %mul3A_82, %add3A_86 : vector<256x64xf32>
    %get3A_88 = arith.constant 0 : index
    %get3A_89 = arith.constant 0 : index
    %get3A_90 = vector.load %arg9[%get3A_88, %get3A_89] : memref<128x256xf32, #tpu.memory_space<vmem>>, vector<128x256xf32>
    %dot_general3A_91 = arith.constant dense<0.000000e+00> : vector<128x64xf32>
    %dot_general3A_92 = tpu.matmul %get3A_90, %add3A_87, %dot_general3A_91 {dimension_numbers = #tpu.dot_dimension_numbers<[1], [0], [0], [1], [0, 0, 1, 1], [], []>, precision = #tpu.contract_precision<fp32>, transpose_lhs_hint = false} : vector<128x256xf32>, vector<256x64xf32>, vector<128x64xf32> -> vector<128x64xf32>
    %get3A_93 = arith.constant 0 : index
    %get3A_94 = arith.constant 0 : index
    %get3A_95 = vector.load %arg10[%get3A_93, %get3A_94] : memref<128x7xf32, #tpu.memory_space<vmem>>, vector<128x7xf32>
    %get3A_96 = arith.constant 0 : index
    %get3A_97 = arith.constant 0 : index
    %get3A_98 = vector.load %arg12[%get3A_96, %get3A_97] : memref<7x64xf32, #tpu.memory_space<vmem>>, vector<7x64xf32>
    %dot_general3A_99 = arith.constant dense<0.000000e+00> : vector<128x64xf32>
    %dot_general3A_100 = tpu.matmul %get3A_95, %get3A_98, %dot_general3A_99 {dimension_numbers = #tpu.dot_dimension_numbers<[1], [0], [0], [1], [0, 0, 1, 1], [], []>, precision = #tpu.contract_precision<fp32>, transpose_lhs_hint = false} : vector<128x7xf32>, vector<7x64xf32>, vector<128x64xf32> -> vector<128x64xf32>
    %add3A_101 = arith.addf %dot_general3A_92, %dot_general3A_100 : vector<128x64xf32>
    %get3A_102 = arith.constant 0 : index
    %get3A_103 = arith.constant 0 : index
    %get3A_104 = vector.load %arg11[%get3A_102, %get3A_103] : memref<128x1xf32, #tpu.memory_space<vmem>>, vector<128x1xf32>
    %add3A_105 = vector.broadcast %get3A_104 : vector<128x1xf32> to vector<128x64xf32>
    %add3A_106 = arith.addf %add3A_101, %add3A_105 : vector<128x64xf32>
    %integer_pow3A_107 = arith.mulf %add3A_106, %add3A_106 : vector<128x64xf32>
    %integer_pow3A_108 = arith.mulf %add3A_106, %integer_pow3A_107 : vector<128x64xf32>
    %mul3A_109 = arith.constant 4.471500e-02 : f32
    %mul3A_110 = vector.broadcast %mul3A_109 : f32 to vector<128x64xf32>
    %mul3A_111 = arith.mulf %mul3A_110, %integer_pow3A_108 : vector<128x64xf32>
    %add3A_112 = arith.addf %add3A_106, %mul3A_111 : vector<128x64xf32>
    %mul3A_113 = arith.constant 0.797884583 : f32
    %mul3A_114 = vector.broadcast %mul3A_113 : f32 to vector<128x64xf32>
    %mul3A_115 = arith.mulf %mul3A_114, %add3A_112 : vector<128x64xf32>
    %tanh3A_116 = math.tanh %mul3A_115 : vector<128x64xf32>
    %add3A_117 = arith.constant 1.000000e+00 : f32
    %add3A_118 = vector.broadcast %add3A_117 : f32 to vector<128x64xf32>
    %add3A_119 = arith.addf %add3A_118, %tanh3A_116 : vector<128x64xf32>
    %mul3A_120 = arith.constant 5.000000e-01 : f32
    %mul3A_121 = vector.broadcast %mul3A_120 : f32 to vector<128x64xf32>
    %mul3A_122 = arith.mulf %mul3A_121, %add3A_119 : vector<128x64xf32>
    %mul3A_123 = arith.mulf %add3A_106, %mul3A_122 : vector<128x64xf32>
    %get3A_124 = arith.constant 0 : index
    %get3A_125 = arith.constant 0 : index
    %get3A_126 = vector.load %arg13[%get3A_124, %get3A_125] : memref<2x128xf32, #tpu.memory_space<vmem>>, vector<2x128xf32>
    %dot_general3A_127 = arith.constant dense<0.000000e+00> : vector<2x64xf32>
    %dot_general3A_128 = tpu.matmul %get3A_126, %mul3A_123, %dot_general3A_127 {dimension_numbers = #tpu.dot_dimension_numbers<[1], [0], [0], [1], [0, 0, 1, 1], [], []>, precision = #tpu.contract_precision<fp32>, transpose_lhs_hint = false} : vector<2x128xf32>, vector<128x64xf32>, vector<2x64xf32> -> vector<2x64xf32>
    %get3A_129 = arith.constant 0 : index
    %get3A_130 = arith.constant 0 : index
    %get3A_131 = vector.load %arg14[%get3A_129, %get3A_130] : memref<2x1xf32, #tpu.memory_space<vmem>>, vector<2x1xf32>
    %add3A_132 = vector.broadcast %get3A_131 : vector<2x1xf32> to vector<2x64xf32>
    %add3A_133 = arith.addf %dot_general3A_128, %add3A_132 : vector<2x64xf32>
    %logistic3A = arith.negf %add3A_133 : vector<2x64xf32>
    %logistic3A_134 = math.exp %logistic3A : vector<2x64xf32>
    %logistic3A_135 = arith.constant 1.000000e+00 : f32
    %logistic3A_136 = vector.broadcast %logistic3A_135 : f32 to vector<2x64xf32>
    %logistic3A_137 = arith.addf %logistic3A_136, %logistic3A_134 : vector<2x64xf32>
    %logistic3A_138 = arith.divf %logistic3A_136, %logistic3A_137 : vector<2x64xf32>
    %swap3A = arith.constant 0 : index
    %swap3A_139 = arith.constant 0 : index
    %swap3A_140 = vector.load %arg15[%swap3A, %swap3A_139] : memref<2x64xf32, #tpu.memory_space<vmem>>, vector<2x64xf32>
    tpu.vector_store %arg15[%swap3A, %swap3A_139], %logistic3A_138 {strides = array<i32>} : memref<2x64xf32, #tpu.memory_space<vmem>>, vector<2x64xf32>,
    return
  }
}

</mosaic_0001>

<sc_bundles>
// kernel: kernel.4.cloned.1.call-start
scs
__scs_entry_jumppad:
0x0: {  	(pc) =	sbr.rel $0x88, $3  }
0x1: {  	(tag) =	ssettag $0x0;
	lr =	simm.s32 $0x1  }
0x2: {  	[smem:$0x3F95] =	sst lr;
	_ =	strace $0xD0000000  }
0x3: {  	_ = 	snop  }
0x4: {  	_ = 	snop  }
0x5: {  	_ = 	snop  }
0x6: {  	_ = 	snop  }
0x7: {  	_ = 	snop  }
__scs_overlays_trampoline_lowered:
0x8: {  	[smem:$0x3FA4] =	sst s0  }
0x9: {  	[smem:$0x3FA5] =	sst s1  }
0xa: {  	[smem:$0x3FA6] =	sst s2  }
0xb: {  	[smem:$0x3FA7] =	sst s3  }
0xc: {  	[smem:$0x3FA8] =	sst s4  }
0xd: {  	[smem:$0x3FA9] =	sst s5  }
0xe: {  	[smem:$0x3FAA] =	sst s6  }
0xf: {  	[smem:$0x3FAB] =	sst s7  }
0x10: {  	[smem:$0x3FAC] =	sst s8  }
0x11: {  	[smem:$0x3FAD] =	sst s9;
	s0 =	simm.s32 @!p0 $0x0  }
0x12: {  	s1 =	sld [smem:$0x3F93];
	s0 =	simm.s32 @p0 $0x1  }
0x13: {  	[smem:$0x3FAE] =	sst s0;
	s0 =	simm.s32 @!p1 $0x0  }
0x14: {  	s2 =	sld [smem:$0x3F92];
	s0 =	simm.s32 @p1 $0x1  }
0x15: {  	[smem:$0x3FAF] =	sst s0;
	s0 =	simm.s32 @!p2 $0x0  }
0x16: {  	s3 =	sld [smem:$0x3FDB];
	s0 =	simm.s32 @p2 $0x1  }
0x17: {  	s4 =	simm.s32 $0x1BF5;
	[smem:$0x3FB1] =	sst s0  }
0x18: {  	s0 =	sld [smem:$0x3F94];
	_ =	swait.ge [sflag:s4], $0x0  }
0x19: {  	s7 =	sld [smem:$0x3F95]  }
0x1a: {  	s8 =	sadd.s32 $0xFFFFE003, lr  }
0x1b: {  	s9 =	sadd.s32 $0xFFFFFEF7, lr;
	s5 =	simm.s32 $0xFFFFFFFF;
	p2 =	slt.u32 s8, $0xFFFFF086  }
0x1c: {  	p1 =	slt.u32 s9, $0xF7A;
	s5 =	simm.s32 @!p2 $0x0  }
0x1d: {  	s5 =	simm.s32 @p1 $0x1;
	p0 =	seq.s32 s7, s2  }
0x1e: {  	s7 =	smul.u32 @!p0 $0xF7A, s2;
	p2 =	seq.s32 @!p0 s5, $0x0  }
0x1f: {  	s9 =	smul.u32 $0xF7A, s1;
	s8 =	simm.s32 @!p0 $0x1BF5;
	p2 =	por !p2, p0  }
0x20: {  	[sflag:s8] =	ssyncset.s32 @!p0 $0xFFFFF086;
	s6 =	sadd.s32 @!p0 s3, s7;
	s7 =	simm.s32 @!p0 $0x108  }
0x21: {  	s3 =	sadd.s32 s3, s9;
	s6 =	sadd.s32 @!p0 $0x88, s6;
	s7 =	simm.s32 @p2 $0x1082  }
0x22: {  	[simem:s7], [sflag:s8] =	dma.local @!p0 [hbm:s6], $0xF7A  }
0x23: {  	s9 =	sor.u32 $0xD0000000, s2;
	s6 =	simm.s32 $0x108;
	_ =	swait.ge @!p0 [sflag:s8], $0x0  }
0x24: {  	s3 =	sadd.s32 $0x88, s3;
	s6 =	simm.s32 @!p1 $0x1082;
	[sflag:s4] =	ssyncset.s32 $0xFFFFF086  }
0x25: {  	[simem:s6], [sflag:s4] =	dma.local [hbm:s3], $0xF7A  }
0x26: {  	[smem:$0x3F95] =	sst s1;
	(tag) =	ssettag s2;
	_ =	strace s9  }
0x27: {  	s1 =	sld [smem:$0x3FA5]  }
0x28: {  	s2 =	sld [smem:$0x3FA6]  }
0x29: {  	s4 =	sld [smem:$0x3FA8]  }
0x2a: {  	p0 =	seq.s32 s5, $0x0;
	s5 =	sld [smem:$0x3FA9]  }
0x2b: {  	s6 =	sld [smem:$0x3FAA]  }
0x2c: {  	s7 =	sld [smem:$0x3FAB]  }
0x2d: {  	s3 =	simm.s32 $0x108;
	s8 =	sld [smem:$0x3FAC]  }
0x2e: {  	s3 =	simm.s32 @!p0 $0x1082;
	s9 =	sld [smem:$0x3FAD]  }
0x2f: {  	lr =	sadd.s32 s0, s3;
	s0 =	sld [smem:$0x3FA4]  }
0x30: {  	s3 =	sld [smem:$0x3FA7]  }
0x31: {  	[smem:$0x3FB0] =	sst s10  }
0x32: {  	s10 =	sld [smem:$0x3FAE];
	_ =	sdelay $0x3  }
0x33: {  	p0 =	seq.s32 s10, $0x1;
	s10 =	sld [smem:$0x3FB0];
	_ =	sdelay $0x3  }
0x34: {  	[smem:$0x3FB0] =	sst s10  }
0x35: {  	s10 =	sld [smem:$0x3FAF];
	_ =	sdelay $0x3  }
0x36: {  	p1 =	seq.s32 s10, $0x1;
	s10 =	sld [smem:$0x3FB0];
	_ =	sdelay $0x3  }
0x37: {  	[smem:$0x3FB0] =	sst s10  }
0x38: {  	s10 =	sld [smem:$0x3FB1]  }
0x39: {  	_ = 	snop;
	(pc) =	sbr.ind lr, $3  }
0x3a: {  	_ = 	snop  }
0x3b: {  	_ = 	snop  }
0x3c: {  	p2 =	seq.s32 s10, $0x1;
	s10 =	sld [smem:$0x3FB0]  }
0x3d: {  	_ =	shalt  }
0x3e: {  	_ =	shalt  }
0x3f: {  	_ =	shalt  }
0x40: {  	_ =	shalt  }
0x41: {  	_ =	shalt  }
0x42: {  	_ =	shalt  }
0x43: {  	_ =	shalt  }
0x44: {  	_ =	shalt  }
0x45: {  	_ =	shalt  }
0x46: {  	_ =	shalt  }
0x47: {  	_ =	shalt  }
0x48: {  	_ =	shalt  }
0x49: {  	_ =	shalt  }
0x4a: {  	_ =	shalt  }
0x4b: {  	_ =	shalt  }
0x4c: {  	_ =	shalt  }
0x4d: {  	_ =	shalt  }
0x4e: {  	_ =	shalt  }
0x4f: {  	_ =	shalt  }
0x50: {  	_ =	shalt  }
0x51: {  	_ =	shalt  }
0x52: {  	_ =	shalt  }
0x53: {  	_ =	shalt  }
0x54: {  	_ =	shalt  }
0x55: {  	_ =	shalt  }
0x56: {  	_ =	shalt  }
0x57: {  	_ =	shalt  }
0x58: {  	_ =	shalt  }
0x59: {  	_ =	shalt  }
0x5a: {  	_ =	shalt  }
0x5b: {  	_ =	shalt  }
0x5c: {  	_ =	shalt  }
0x5d: {  	_ =	shalt  }
0x5e: {  	_ =	shalt  }
0x5f: {  	_ =	shalt  }
0x60: {  	_ =	shalt  }
0x61: {  	_ =	shalt  }
0x62: {  	_ =	shalt  }
0x63: {  	_ =	shalt  }
0x64: {  	_ =	shalt  }
0x65: {  	_ =	shalt  }
0x66: {  	_ =	shalt  }
0x67: {  	_ =	shalt  }
0x68: {  	_ =	shalt  }
0x69: {  	_ =	shalt  }
0x6a: {  	_ =	shalt  }
0x6b: {  	_ =	shalt  }
0x6c: {  	_ =	shalt  }
0x6d: {  	_ =	shalt  }
0x6e: {  	_ =	shalt  }
0x6f: {  	_ =	shalt  }
0x70: {  	_ =	shalt  }
0x71: {  	_ =	shalt  }
0x72: {  	_ =	shalt  }
0x73: {  	_ =	shalt  }
0x74: {  	_ =	shalt  }
0x75: {  	_ =	shalt  }
0x76: {  	_ =	shalt  }
0x77: {  	_ =	shalt  }
0x78: {  	_ =	shalt  }
0x79: {  	_ =	shalt  }
0x7a: {  	_ =	shalt  }
0x7b: {  	_ =	shalt  }
0x7c: {  	_ =	shalt  }
0x7d: {  	_ =	shalt  }
0x7e: {  	_ =	shalt  }
0x7f: {  	_ =	shalt  }
0x80: {  	_ =	shalt  }
0x81: {  	_ =	shalt  }
0x82: {  	_ =	shalt  }
0x83: {  	_ =	shalt  }
0x84: {  	_ =	shalt  }
0x85: {  	_ =	shalt  }
0x86: {  	_ =	shalt  }
0x87: {  	_ =	shalt  }
.Lfunc_end0:
.L_simem_size_0:
called_computation_lowered:
.L_overlay_start_0:
0x88: {  	s0 =	sld [smem:$0x3FD9]  }
0x89: {  	s1 =	sld [smem:$0x3FFE];
	_ =	sdelay $0x3  }
0x8a: {  	s0 =	sadd.s32 s1, s0  }
0x8b: {  	[smem:$0x3FBC] =	sst s0  }
0x8c: {  	_ = 	snop  }
0x8d: {  	(tm) =	ssettm $0x1  }
0x8e: {  	s15 =	sld [smem:$0x3FFB];
	_ =	sdelay $0x3  }
0x8f: {  	_ =	strace s15  }
0x90: {  	s0 =	sld [smem:$0x3FFC];
	_ =	sdelay $0x3  }
0x91: {  	_ =	strace s0  }
0x92: {  	s0 =	sld [smem:$0x3FFD];
	_ =	sdelay $0x3  }
0x93: {  	_ =	strace s0  }
0x94: {  	_ =	strace $0x8FFFFFFF  }
0x95: {  	s16 =	sld [smem:$0x3FDB];
	_ =	sdelay $0x1  }
0x96: {  	s17 =	simm.s32 $_scs_section_size  }
0x97: {  	s2 =	simm.s32 $_size__tile_overlayer_lowered;
	s3 =	simm.s32 $_tile_overlayer_lowered  }
0x98: {  	s20 =	simm.s32 $0x1BFF;
	s19 =	sshll.u32 s3, $0x1;
	s0 =	sadd.s32 s17, s16  }
0x99: {  	s4 =	simm.s32 $0x0;
	s18 =	sshll.u32 s2, $0x1;
	s2 =	sadd.s32 s19, s0  }
0x9a: {  	[timem:s4], [sflag:s20] =	dma.local [hbm:s2], s18  }
0x9b: {  	_ =	swait.ge [sflag:s20], s18  }
0x9c: {  	s1 =	ssub.s32 $0x0, s18;
	[sflag:s20] =	ssyncset.done $0x0  }
0x9d: {  	[sflag:s20] =	ssyncadd.s32 s1;
	_ =	sdelay $0x1  }
0x9e: {  	s21 =	simm.s32 $0x1B8B  }
0x9f: {  	_ =	swait.ge [sflag:s21], $0x1  }
0xa0: {  	[sflag:s21] =	ssyncset.done $0x0  }
0xa1: {  	s23 =	simm.s32 $0x1B8E;
	s22 =	sld [smem:$0x3FFE];
	[sflag:s21] =	ssyncadd.s32 $0xFFFFFFFF  }
0xa2: {  	s24 =	simm.s32 $execute0_lowered;
	[smem:$0x3FD2] =	sst s23  }
0xa3: {  	s2 =	sshll.u32 s24, $0x1;
	_ =	strace $0x80000046;
	[dreg:$0x1] =	wrdreg $0xFFFFFFFF  }
0xa4: {  	s25 =	simm.s32 $_size_execute0_lowered;
	s0 =	sadd.s32 s0, s2;
	[dreg:$0x0] =	wrdreg $0x0  }
0xa5: {  	s2 =	sshll.u32 s25, $0x1;
	[dreg:$0x2] =	wrdreg s0  }
0xa6: {  	[dreg:$0x3] =	wrdreg s2  }
0xa7: {  	[dreg:$0x4] =	wrdreg $0xC0  }
0xa8: {  	_ =	task [dreg:s4], $0x5FFFF  }
0xa9: {  	[dreg:$0x1] =	wrdreg $0xFFFFFFFF  }
0xaa: {  	[dreg:$0x0] =	wrdreg $0x60  }
0xab: {  	[dreg:$0x2] =	wrdreg s22  }
0xac: {  	[dreg:$0x3] =	wrdreg $0x9  }
0xad: {  	_ =	task.clear_ibuf [dreg:s4], $0x4FFFF;
	_ =	strace $0x90000046  }
0xae: {  	s26 =	simm.s32 $0x9;
	_ =	strace $0x80000048  }
0xaf: {  	_ =	swait.ge [sflag:s26], $0x1  }
0xb0: {  	[sflag:s26] =	ssyncadd.s32 $0xFFFFFFFF  }
0xb1: {  	_ =	strace $0x90000048  }
0xb2: {  	_ =	sfence  }
0xb3: {  	s28 =	sld [smem:$0x0];
	_ =	sdelay $0x1  }
0xb4: {  	s29 =	srdreg.scid  }
0xb5: {  	s30 =	sshll.u32 s29, $0xD;
	s31 =	sshrl.u32 s29, $0x2  }
0xb6: {  	s1 =	sand.u32 $0x1, s29;
	s2 =	sand.u32 $0x4000, s30;
	s0 =	sadd.s32 s31, s28  }
0xb7: {  	s1 =	sor.u32 s2, s1;
	s0 =	sshll.u32 s0, $0x11  }
0xb8: {  	s0 =	sor.u32 s0, s1  }
0xb9: {  	s0 =	sadd.s32 $0x8F2B, s0  }
0xba: {  	[sflag:s0] =	ssyncadd.remote.s32 $0x1  }
0xbb: {  	_ =	sfence.sel $0xFFFF  }
0xbc: {  	[dreg:$0x0] =	wrdreg $0xFFFFFFFF;
	(pc) =	sbr.abs _section_cstart, $3  }
0xbd: {  	[dreg:$0x1] =	wrdreg $0xFFFFFFFF  }
0xbe: {  	_ =	task.clear_ibuf [dreg:s4], $0x2FFFF;
	_ =	strace $0x9FFFFFFF  }
0xbf: {  	(tm) =	ssettm $0x7FFFFFFF  }
tec
execute0_lowered:
.L_overlay_start_1:
0x0: {  	(tag) =	ssettag $0x1  }
0x1: {  	s3 =	rddreg [dreg:$0x0]  }
0x2: {  	s0 =	rddreg [dreg:$0x1]  }
0x3: {  	s2 =	simm.s32 $0x0;
	s1 =	stileid.u32;
	s11 =	simm.s32 $0x0  }
0x4: {  	[smem:$0x7FF] =	sst s2;
	s8 =	smul.u32 $0x9C4, s1;
	s9 =	sadd.s32 $0xBC00, s3  }
0x5: {  	s7 =	sadd.s32 $0x15A00, s3;
	s4 =	sadd.s32 $0x20000, s3;
	s5 =	sadd.s32 $0x20600, s3  }
0x6: {  	s2 =	sadd.s32 $0x1B000, s3;
	s6 =	sadd.s32 $0x16000, s3;
	s10 =	sadd.s32 s8, s3  }
0x7: {  	v0 =	vimm.f32 $0.0e+00;
	_ =	strace $0x80000047;
	s3 =	simm.s32 $0x40;
	s10 =	sadd.s32 $0x1E00, s10  }
.LBB2_1:
0x8: {  	p0 =	sne.s32 s3, $0x9FC0;
	[tilespmem:s11+$0x0] =	vst v0;
	s11 =	smov.u32 s3;
	s3 =	sadd.s32 $0x40, s3  }
.Ltmp0:
0x9: {  	(pc) =	sbr.rel @p0 .LBB2_1-.Ltmp0, $2  }
0xa: {  	_ =	sdelay $0x2  }
0xb: {  	s11 =	sshra.s32 s11, $0x2  }
0xc: {  	[tilespmem:s11+$0x0] =	vst v0;
	s3 =	simm.s32 $0x0;
	s29 =	simm.s32 $0x9E80;
	s30 =	simm.s32 $0x1  }
0xd: {  	[tilespmem:s29], [sflag:$0x1] =	stream.linear.gather [hbm4b:s10+s3], $0x4E20, $0x38;
	[tilespmem:$0x11A00] =	vst v63  }
0xe: {  	_ =	swait.ge [sflag:s30], $0x4E20  }
0xf: {  	[sflag:s30] =	ssyncset.done $0x0  }
0x10: {  	s8 =	sadd.s32 s9, s8;
	s31 =	simm.s32 $0x5000;
	[sflag:s30] =	ssyncadd.s32 $0xFFFFB1E0  }
0x11: {  	[tilespmem:s31], [sflag:$0x1] =	stream.linear.gather [hbm4b:s8+s3], $0x4E20, $0x38;
	[tilespmem:$0x11A00] =	vst v63  }
0x12: {  	_ =	swait.ge [sflag:s30], $0x4E20  }
0x13: {  	s9 =	simm.s32 $0xA010;
	[sflag:s30] =	ssyncset.done $0x0  }
0x14: {  	v0 =	vimm.f32 $1.000000000e+00;
	s10 =	simm.s32 $0x0;
	s8 =	simm.s32 $0xFFFFFFCE;
	[sflag:s30] =	ssyncadd.s32 $0xFFFFB1E0  }
.LBB2_3:
0x15: {  	v1 =	vld [tilespmem:s9+$0xFFFFFE70];
	_ =	sdelay $0x7  }
0x16: {  	[tilespmem:v1+s3+$0x0] =	vst.idx.add.f32.msk $0xffff, v0  }
0x17: {  	v1 =	vld [tilespmem:s9+$0xFFFFFE80];
	_ =	sdelay $0x7  }
0x18: {  	[tilespmem:v1+s3+$0x0] =	vst.idx.add.f32.msk $0xffff, v0  }
0x19: {  	v1 =	vld [tilespmem:s9+$0xFFFFFE90];
	_ =	sdelay $0x7  }
0x1a: {  	[tilespmem:v1+s3+$0x0] =	vst.idx.add.f32.msk $0xffff, v0  }
0x1b: {  	v1 =	vld [tilespmem:s9+$0xFFFFFEA0];
	_ =	sdelay $0x7  }
0x1c: {  	[tilespmem:v1+s3+$0x0] =	vst.idx.add.f32.msk $0xffff, v0  }
0x1d: {  	v1 =	vld [tilespmem:s9+$0xFFFFFEB0];
	_ =	sdelay $0x7  }
0x1e: {  	[tilespmem:v1+s3+$0x0] =	vst.idx.add.f32.msk $0xffff, v0  }
0x1f: {  	v1 =	vld [tilespmem:s9+$0xFFFFFEC0];
	_ =	sdelay $0x7  }
0x20: {  	[tilespmem:v1+s3+$0x0] =	vst.idx.add.f32.msk $0xffff, v0  }
0x21: {  	v1 =	vld [tilespmem:s9+$0xFFFFFED0];
	_ =	sdelay $0x7  }
0x22: {  	[tilespmem:v1+s3+$0x0] =	vst.idx.add.f32.msk $0xffff, v0  }
0x23: {  	v1 =	vld [tilespmem:s9+$0xFFFFFEE0];
	_ =	sdelay $0x7  }
0x24: {  	s11 =	sand.u32 $0x7FE0, s10;
	[tilespmem:v1+s3+$0x0] =	vst.idx.add.f32.msk $0xffff, v0  }
0x25: {  	v1 =	vld [tilespmem:s11+$0x9F00];
	_ =	sdelay $0x7  }
0x26: {  	[tilespmem:v1+s3+$0x0] =	vst.idx.add.f32.msk $0xffff, v0  }
0x27: {  	v1 =	vld [tilespmem:s9+$0xFFFFFF00];
	_ =	sdelay $0x7  }
0x28: {  	[tilespmem:v1+s3+$0x0] =	vst.idx.add.f32.msk $0xffff, v0  }
0x29: {  	v1 =	vld [tilespmem:s9+$0xFFFFFF10];
	_ =	sdelay $0x7  }
0x2a: {  	[tilespmem:v1+s3+$0x0] =	vst.idx.add.f32.msk $0xffff, v0  }
0x2b: {  	v1 =	vld [tilespmem:s9+$0xFFFFFF20];
	_ =	sdelay $0x7  }
0x2c: {  	[tilespmem:v1+s3+$0x0] =	vst.idx.add.f32.msk $0xffff, v0  }
0x2d: {  	v1 =	vld [tilespmem:s9+$0xFFFFFF30];
	_ =	sdelay $0x7  }
0x2e: {  	[tilespmem:v1+s3+$0x0] =	vst.idx.add.f32.msk $0xffff, v0  }
0x2f: {  	v1 =	vld [tilespmem:s9+$0xFFFFFF40];
	_ =	sdelay $0x7  }
0x30: {  	[tilespmem:v1+s3+$0x0] =	vst.idx.add.f32.msk $0xffff, v0  }
0x31: {  	v1 =	vld [tilespmem:s9+$0xFFFFFF50];
	_ =	sdelay $0x7  }
0x32: {  	[tilespmem:v1+s3+$0x0] =	vst.idx.add.f32.msk $0xffff, v0  }
0x33: {  	v1 =	vld [tilespmem:s9+$0xFFFFFF60];
	_ =	sdelay $0x7  }
0x34: {  	[tilespmem:v1+s3+$0x0] =	vst.idx.add.f32.msk $0xffff, v0  }
0x35: {  	v1 =	vld [tilespmem:s11+$0x9F80];
	_ =	sdelay $0x7  }
0x36: {  	[tilespmem:v1+s3+$0x0] =	vst.idx.add.f32.msk $0xffff, v0  }
0x37: {  	v1 =	vld [tilespmem:s9+$0xFFFFFF80];
	_ =	sdelay $0x7  }
0x38: {  	[tilespmem:v1+s3+$0x0] =	vst.idx.add.f32.msk $0xffff, v0  }
0x39: {  	v1 =	vld [tilespmem:s9+$0xFFFFFF90];
	_ =	sdelay $0x7  }
0x3a: {  	[tilespmem:v1+s3+$0x0] =	vst.idx.add.f32.msk $0xffff, v0  }
0x3b: {  	v1 =	vld [tilespmem:s9+$0xFFFFFFA0];
	_ =	sdelay $0x7  }
0x3c: {  	[tilespmem:v1+s3+$0x0] =	vst.idx.add.f32.msk $0xffff, v0  }
0x3d: {  	v1 =	vld [tilespmem:s9+$0xFFFFFFB0];
	_ =	sdelay $0x7  }
0x3e: {  	[tilespmem:v1+s3+$0x0] =	vst.idx.add.f32.msk $0xffff, v0  }
0x3f: {  	v1 =	vld [tilespmem:s9+$0xFFFFFFC0];
	_ =	sdelay $0x7  }
0x40: {  	[tilespmem:v1+s3+$0x0] =	vst.idx.add.f32.msk $0xffff, v0  }
0x41: {  	v1 =	vld [tilespmem:s9+$0xFFFFFFD0];
	_ =	sdelay $0x7  }
0x42: {  	[tilespmem:v1+s3+$0x0] =	vst.idx.add.f32.msk $0xffff, v0  }
0x43: {  	v1 =	vld [tilespmem:s9+$0xFFFFFFE0];
	_ =	sdelay $0x7  }
0x44: {  	[tilespmem:v1+s3+$0x0] =	vst.idx.add.f32.msk $0xffff, v0  }
0x45: {  	v1 =	vld [tilespmem:s11+$0xA000];
	_ =	sdelay $0x7  }
0x46: {  	[tilespmem:v1+s3+$0x0] =	vst.idx.add.f32.msk $0xffff, v0  }
0x47: {  	v1 =	vld [tilespmem:s9+$0x0];
	_ =	sdelay $0x7  }
0x48: {  	[tilespmem:v1+s3+$0x0] =	vst.idx.add.f32.msk $0xffff, v0  }
0x49: {  	v1 =	vld [tilespmem:s9+$0x10];
	_ =	sdelay $0x7  }
0x4a: {  	[tilespmem:v1+s3+$0x0] =	vst.idx.add.f32.msk $0xffff, v0  }
0x4b: {  	v1 =	vld [tilespmem:s9+$0x20];
	_ =	sdelay $0x7  }
0x4c: {  	[tilespmem:v1+s3+$0x0] =	vst.idx.add.f32.msk $0xffff, v0  }
0x4d: {  	v1 =	vld [tilespmem:s9+$0x30];
	_ =	sdelay $0x7  }
0x4e: {  	[tilespmem:v1+s3+$0x0] =	vst.idx.add.f32.msk $0xffff, v0  }
0x4f: {  	v1 =	vld [tilespmem:s9+$0x40];
	_ =	sdelay $0x7  }
0x50: {  	[tilespmem:v1+s3+$0x0] =	vst.idx.add.f32.msk $0xffff, v0  }
0x51: {  	v1 =	vld [tilespmem:s9+$0x50];
	_ =	sdelay $0x7  }
0x52: {  	[tilespmem:v1+s3+$0x0] =	vst.idx.add.f32.msk $0xffff, v0  }
0x53: {  	v1 =	vld [tilespmem:s9+$0x60];
	_ =	sdelay $0x7  }
0x54: {  	[tilespmem:v1+s3+$0x0] =	vst.idx.add.f32.msk $0xffff, v0  }
0x55: {  	v1 =	vld [tilespmem:s11+$0xA080];
	_ =	sdelay $0x7  }
0x56: {  	[tilespmem:v1+s3+$0x0] =	vst.idx.add.f32.msk $0xffff, v0  }
0x57: {  	v1 =	vld [tilespmem:s9+$0x80];
	_ =	sdelay $0x7  }
0x58: {  	[tilespmem:v1+s3+$0x0] =	vst.idx.add.f32.msk $0xffff, v0  }
0x59: {  	v1 =	vld [tilespmem:s9+$0x90];
	_ =	sdelay $0x7  }
0x5a: {  	[tilespmem:v1+s3+$0x0] =	vst.idx.add.f32.msk $0xffff, v0  }
0x5b: {  	v1 =	vld [tilespmem:s9+$0xA0];
	_ =	sdelay $0x7  }
0x5c: {  	[tilespmem:v1+s3+$0x0] =	vst.idx.add.f32.msk $0xffff, v0  }
0x5d: {  	v1 =	vld [tilespmem:s9+$0xB0];
	_ =	sdelay $0x7  }
0x5e: {  	[tilespmem:v1+s3+$0x0] =	vst.idx.add.f32.msk $0xffff, v0  }
0x5f: {  	v1 =	vld [tilespmem:s9+$0xC0];
	_ =	sdelay $0x7  }
0x60: {  	[tilespmem:v1+s3+$0x0] =	vst.idx.add.f32.msk $0xffff, v0  }
0x61: {  	v1 =	vld [tilespmem:s9+$0xD0];
	_ =	sdelay $0x7  }
0x62: {  	[tilespmem:v1+s3+$0x0] =	vst.idx.add.f32.msk $0xffff, v0  }
0x63: {  	v1 =	vld [tilespmem:s9+$0xE0];
	_ =	sdelay $0x7  }
0x64: {  	[tilespmem:v1+s3+$0x0] =	vst.idx.add.f32.msk $0xffff, v0  }
0x65: {  	v1 =	vld [tilespmem:s11+$0xA100];
	_ =	sdelay $0x7  }
0x66: {  	[tilespmem:v1+s3+$0x0] =	vst.idx.add.f32.msk $0xffff, v0  }
0x67: {  	v1 =	vld [tilespmem:s9+$0x100];
	_ =	sdelay $0x7  }
0x68: {  	[tilespmem:v1+s3+$0x0] =	vst.idx.add.f32.msk $0xffff, v0  }
0x69: {  	v1 =	vld [tilespmem:s9+$0x110];
	_ =	sdelay $0x7  }
0x6a: {  	[tilespmem:v1+s3+$0x0] =	vst.idx.add.f32.msk $0xffff, v0  }
0x6b: {  	v1 =	vld [tilespmem:s9+$0x120];
	_ =	sdelay $0x7  }
0x6c: {  	[tilespmem:v1+s3+$0x0] =	vst.idx.add.f32.msk $0xffff, v0  }
0x6d: {  	v1 =	vld [tilespmem:s9+$0x130];
	_ =	sdelay $0x7  }
0x6e: {  	[tilespmem:v1+s3+$0x0] =	vst.idx.add.f32.msk $0xffff, v0  }
0x6f: {  	v1 =	vld [tilespmem:s9+$0x140];
	_ =	sdelay $0x7  }
0x70: {  	[tilespmem:v1+s3+$0x0] =	vst.idx.add.f32.msk $0xffff, v0  }
0x71: {  	v1 =	vld [tilespmem:s9+$0x150];
	_ =	sdelay $0x7  }
0x72: {  	[tilespmem:v1+s3+$0x0] =	vst.idx.add.f32.msk $0xffff, v0  }
0x73: {  	v1 =	vld [tilespmem:s9+$0x160];
	_ =	sdelay $0x7  }
0x74: {  	[tilespmem:v1+s3+$0x0] =	vst.idx.add.f32.msk $0xffff, v0  }
0x75: {  	v1 =	vld [tilespmem:s11+$0xA180];
	_ =	sdelay $0x7  }
0x76: {  	[tilespmem:v1+s3+$0x0] =	vst.idx.add.f32.msk $0xffff, v0  }
0x77: {  	v1 =	vld [tilespmem:s9+$0x180];
	_ =	sdelay $0x1  }
0x78: {  	s8 =	sadd.s32 $0x32, s8  }
0x79: {  	p0 =	slt.u32 s8, $0x4B0  }
.Ltmp1:
0x7a: {  	_ = 	snop;
	(pc) =	sbr.rel @p0 .LBB2_3-.Ltmp1, $2  }
0x7b: {  	_ =	sdelay $0x2  }
0x7c: {  	s10 =	sadd.s32 $0x320, s10;
	s9 =	sadd.s32 $0x320, s9;
	[tilespmem:v1+s3+$0x0] =	vst.idx.add.f32.msk $0xffff, v0  }
0x7d: {  	s3 =	sshrl.u32 s1, $0x3  }
0x7e: {  	s8 =	sshll.u32 s1, $0x7;
	s3 =	smul.u32 $0x14000, s3  }
0x7f: {  	s8 =	sand.u32 $0x380, s8  }
0x80: {  	s3 =	sor.u32 s8, s3  }
0x81: {  	s9 =	simm.s32 $0x80;
	s10 =	simm.s32 $0x400;
	s3 =	sshrl.u32 s3, $0x3  }
0x82: {  	s11 =	simm.s32 $0x0;
	s20 =	simm.s32 $0x1;
	s19 =	sadd.s32 s6, s3  }
0x83: {  	[hbm4b:s19+s9] =	stream.strided.scatter [tilespmem:s11], [sflag:$0x1], $0x2800, s10, s9, $0x38;
	[tilespmem:$0x11A00] =	vst v63  }
0x84: {  	_ =	swait.ge [sflag:s20], $0x2800  }
0x85: {  	s21 =	smul.u32 $0x280, s1;
	[sflag:s20] =	ssyncset.done $0x0  }
0x86: {  	s23 =	simm.s32 $0x1400;
	s24 =	simm.s32 $0x14000;
	[sflag:s20] =	ssyncadd.s32 $0xFFFFD800  }
0x87: {  	s12 =	simm.s32 $0xED00;
	s22 =	sadd.s32 s6, s21;
	[bflag:$0x0] =	sbarrier.arrive $0xFFFF  }
0x88: {  	[tilespmem:s12], [sflag:$0x1] =	stream.strided.gather [hbm4b:s22+s23], $0x2800, s24, s23, $0x38;
	[tilespmem:$0x11A00] =	vst v63  }
0x89: {  	s6 =	smul.u32 $0x50, s1;
	_ =	swait.ge [sflag:s20], $0x2800  }
0x8a: {  	[sflag:s20] =	ssyncset.done $0x0  }
0x8b: {  	s25 =	sadd.s32 s7, s6;
	s7 =	simm.s32 $0x11500;
	[sflag:s20] =	ssyncadd.s32 $0xFFFFD800  }
0x8c: {  	[tilespmem:s7], [sflag:$0x1] =	stream.linear.gather [hbm4b:s25+s11], $0x280, $0x38;
	[tilespmem:$0x11A00] =	vst v63  }
0x8d: {  	_ =	swait.ge [sflag:s20], $0x280  }
0x8e: {  	s26 =	sand.u32 $0x70, s11;
	s28 =	sand.u32 $0x1C00, s11;
	[sflag:s20] =	ssyncset.done $0x0  }
0x8f: {  	s29 =	sor.u32 s26, s28;
	[sflag:s20] =	ssyncadd.s32 $0xFFFFFD80  }
0x90: {  	v0 =	vld [tilespmem:s29+$0xED00]  }
0x91: {  	v1 =	vld [tilespmem:s29+$0xED80];
	_ =	sdelay $0x1  }
0x92: {  	v2 =	vld [tilespmem:s29+$0xEE00];
	_ =	sdelay $0x1  }
0x93: {  	v3 =	vld [tilespmem:s29+$0xEE80]  }
0x94: {  	v0 =	vadd.f32 v1, v0  }
0x95: {  	v1 =	vld [tilespmem:s29+$0xEF00]  }
0x96: {  	v0 =	vadd.f32 v2, v0  }
0x97: {  	v2 =	vld [tilespmem:s29+$0xEF80]  }
0x98: {  	v0 =	vadd.f32 v3, v0  }
0x99: {  	v3 =	vld [tilespmem:s29+$0xF000]  }
0x9a: {  	v0 =	vadd.f32 v1, v0  }
0x9b: {  	v1 =	vld [tilespmem:s29+$0xF080]  }
0x9c: {  	v0 =	vadd.f32 v2, v0  }
0x9d: {  	v2 =	vld [tilespmem:s29+$0x10100]  }
0x9e: {  	v0 =	vadd.f32 v3, v0  }
0x9f: {  	v3 =	vld [tilespmem:s29+$0x10180]  }
0xa0: {  	v0 =	vadd.f32 v1, v0  }
0xa1: {  	v1 =	vld [tilespmem:s29+$0x10200]  }
0xa2: {  	v0 =	vadd.f32 v2, v0  }
0xa3: {  	v2 =	vld [tilespmem:s29+$0x10280]  }
0xa4: {  	v0 =	vadd.f32 v3, v0  }
0xa5: {  	v3 =	vld [tilespmem:s29+$0x10300]  }
0xa6: {  	v0 =	vadd.f32 v1, v0  }
0xa7: {  	v1 =	vld [tilespmem:s29+$0x10380]  }
0xa8: {  	v0 =	vadd.f32 v2, v0  }
0xa9: {  	v2 =	vld [tilespmem:s29+$0x10400]  }
0xaa: {  	v0 =	vadd.f32 v3, v0  }
0xab: {  	v3 =	vld [tilespmem:s29+$0x10480]  }
0xac: {  	v0 =	vadd.f32 v1, v0;
	_ =	sdelay $0x1  }
0xad: {  	v0 =	vadd.f32 v2, v0;
	_ =	sdelay $0x1  }
0xae: {  	v0 =	vadd.f32 v3, v0;
	_ =	sdelay $0x1  }
0xaf: {  	v0 =	vadd.f32 $1.000000000e+00, v0;
	_ =	sdelay $0x1  }
0xb0: {  	v1 =	vshrl.u32 v0, $0x1;
	v0 =	vmul.f32 $5.000000000e-01, v0  }
0xb1: {  	v1 =	vsub.s32 $0x5F3759DF, v1  }
0xb2: {  	v2 =	vmul.f32 v1, v0;
	_ =	sdelay $0x1  }
0xb3: {  	v2 =	vmul.f32 v1, v2;
	_ =	sdelay $0x1  }
0xb4: {  	v2 =	vsub.f32 $1.500000000e+00, v2;
	_ =	sdelay $0x1  }
0xb5: {  	v1 =	vmul.f32 v1, v2;
	_ =	sdelay $0x1  }
0xb6: {  	v2 =	vmul.f32 v1, v0;
	_ =	sdelay $0x1  }
0xb7: {  	v2 =	vmul.f32 v2, v1;
	_ =	sdelay $0x1  }
0xb8: {  	v2 =	vsub.f32 $1.500000000e+00, v2;
	_ =	sdelay $0x1  }
0xb9: {  	v1 =	vmul.f32 v2, v1;
	_ =	sdelay $0x1  }
0xba: {  	v0 =	vmul.f32 v1, v0;
	_ =	sdelay $0x1  }
0xbb: {  	v0 =	vmul.f32 v0, v1;
	_ =	sdelay $0x1  }
0xbc: {  	v0 =	vsub.f32 $1.500000000e+00, v0;
	_ =	sdelay $0x1  }
0xbd: {  	v0 =	vmul.f32 v0, v1  }
0xbe: {  	s30 =	simm.s32 $0x11780  }
0xbf: {  	[tilespmem:s30+$0x0] =	vst v0  }
0xc0: {  	v1 =	vld [tilespmem:s7+$0x0];
	_ =	sdelay $0x3  }
0xc1: {  	s31 =	simm.s32 $0x10;
	s13 =	simm.s32 $0x20;
	s8 =	simm.s32 $0x11510  }
0xc2: {  	s10 =	sand.u32 $0x70, s31;
	s9 =	simm.s32 $0x11790;
	s11 =	simm.s32 $0x80;
	v0 =	vmul.f32 v0, v1  }
.LBB2_5:
0xc3: {  	s12 =	smov.u32 s13  }
0xc4: {  	s14 =	sand.u32 $0x70, s13;
	s15 =	sand.u32 $0x1C00, s11;
	s12 =	sadd.s32 $0x10, s13  }
0xc5: {  	p0 =	sne.s32 s13, $0x270;
	s13 =	sor.u32 s10, s15;
	s10 =	smov.u32 s14;
	[tilespmem:s7+$0x0] =	vst v0  }
0xc6: {  	s7 =	smov.u32 s8;
	v0 =	vld [tilespmem:s13+$0xED00]  }
0xc7: {  	v1 =	vld [tilespmem:s13+$0xED80]  }
0xc8: {  	v2 =	vld [tilespmem:s13+$0xEE00];
	_ =	sdelay $0x1  }
0xc9: {  	v3 =	vld [tilespmem:s13+$0xEE80];
	_ =	sdelay $0x1  }
0xca: {  	v0 =	vadd.f32 v1, v0;
	v1 =	vld [tilespmem:s13+$0xEF00];
	_ =	sdelay $0x1  }
0xcb: {  	v0 =	vadd.f32 v2, v0;
	v2 =	vld [tilespmem:s13+$0xEF80];
	_ =	sdelay $0x1  }
0xcc: {  	v0 =	vadd.f32 v3, v0;
	v3 =	vld [tilespmem:s13+$0xF000];
	_ =	sdelay $0x1  }
0xcd: {  	v0 =	vadd.f32 v1, v0;
	v1 =	vld [tilespmem:s13+$0xF080];
	_ =	sdelay $0x1  }
0xce: {  	v0 =	vadd.f32 v2, v0;
	v2 =	vld [tilespmem:s13+$0x10100];
	_ =	sdelay $0x1  }
0xcf: {  	v0 =	vadd.f32 v3, v0;
	v3 =	vld [tilespmem:s13+$0x10180];
	_ =	sdelay $0x1  }
0xd0: {  	v0 =	vadd.f32 v1, v0;
	v1 =	vld [tilespmem:s13+$0x10200];
	_ =	sdelay $0x1  }
0xd1: {  	v0 =	vadd.f32 v2, v0;
	v2 =	vld [tilespmem:s13+$0x10280];
	_ =	sdelay $0x1  }
0xd2: {  	v0 =	vadd.f32 v3, v0;
	v3 =	vld [tilespmem:s13+$0x10300];
	_ =	sdelay $0x1  }
0xd3: {  	v0 =	vadd.f32 v1, v0;
	v1 =	vld [tilespmem:s13+$0x10380];
	_ =	sdelay $0x1  }
0xd4: {  	v0 =	vadd.f32 v2, v0;
	v2 =	vld [tilespmem:s13+$0x10400];
	_ =	sdelay $0x1  }
0xd5: {  	v0 =	vadd.f32 v3, v0;
	v3 =	vld [tilespmem:s13+$0x10480];
	_ =	sdelay $0x1  }
0xd6: {  	v0 =	vadd.f32 v1, v0;
	_ =	sdelay $0x1  }
0xd7: {  	v0 =	vadd.f32 v2, v0;
	_ =	sdelay $0x1  }
0xd8: {  	v0 =	vadd.f32 v3, v0;
	_ =	sdelay $0x1  }
0xd9: {  	v0 =	vadd.f32 $1.000000000e+00, v0;
	_ =	sdelay $0x1  }
0xda: {  	v1 =	vshrl.u32 v0, $0x1;
	v0 =	vmul.f32 $5.000000000e-01, v0  }
0xdb: {  	v1 =	vsub.s32 $0x5F3759DF, v1  }
0xdc: {  	v2 =	vmul.f32 v1, v0;
	_ =	sdelay $0x1  }
0xdd: {  	v2 =	vmul.f32 v1, v2;
	_ =	sdelay $0x1  }
0xde: {  	v2 =	vsub.f32 $1.500000000e+00, v2;
	_ =	sdelay $0x1  }
0xdf: {  	v1 =	vmul.f32 v1, v2;
	_ =	sdelay $0x1  }
0xe0: {  	v2 =	vmul.f32 v1, v0;
	_ =	sdelay $0x1  }
0xe1: {  	v2 =	vmul.f32 v2, v1;
	_ =	sdelay $0x1  }
0xe2: {  	v2 =	vsub.f32 $1.500000000e+00, v2;
	_ =	sdelay $0x1  }
0xe3: {  	v1 =	vmul.f32 v2, v1;
	_ =	sdelay $0x1  }
0xe4: {  	v0 =	vmul.f32 v1, v0;
	_ =	sdelay $0x1  }
0xe5: {  	v0 =	vmul.f32 v0, v1;
	_ =	sdelay $0x1  }
0xe6: {  	v0 =	vsub.f32 $1.500000000e+00, v0;
	_ =	sdelay $0x1  }
0xe7: {  	v0 =	vmul.f32 v0, v1;
	_ =	sdelay $0x1  }
0xe8: {  	[tilespmem:s9+$0x0] =	vst v0  }
0xe9: {  	v1 =	vld [tilespmem:s8+$0x0]  }
.Ltmp2:
0xea: {  	(pc) =	sbr.rel @p0 .LBB2_5-.Ltmp2, $3  }
0xeb: {  	_ =	sdelay $0x1  }
0xec: {  	s11 =	sadd.s32 $0x80, s11  }
0xed: {  	s13 =	smov.u32 s12;
	s9 =	sadd.s32 $0x10, s9;
	s8 =	sadd.s32 $0x10, s8;
	v0 =	vmul.f32 v0, v1  }
0xee: {  	s11 =	sand.u32 $0x1C00, s11  }
0xef: {  	s10 =	sor.u32 s10, s11;
	[tilespmem:s7+$0x0] =	vst v0  }
0xf0: {  	v0 =	vld [tilespmem:s10+$0xED00]  }
0xf1: {  	v1 =	vld [tilespmem:s10+$0xED80];
	_ =	sdelay $0x1  }
0xf2: {  	v2 =	vld [tilespmem:s10+$0xEE00];
	_ =	sdelay $0x1  }
0xf3: {  	v3 =	vld [tilespmem:s10+$0xEE80]  }
0xf4: {  	v0 =	vadd.f32 v1, v0  }
0xf5: {  	v1 =	vld [tilespmem:s10+$0xEF00]  }
0xf6: {  	v0 =	vadd.f32 v2, v0  }
0xf7: {  	v2 =	vld [tilespmem:s10+$0xEF80]  }
0xf8: {  	v0 =	vadd.f32 v3, v0  }
0xf9: {  	v3 =	vld [tilespmem:s10+$0xF000]  }
0xfa: {  	v0 =	vadd.f32 v1, v0  }
0xfb: {  	v1 =	vld [tilespmem:s10+$0xF080]  }
0xfc: {  	v0 =	vadd.f32 v2, v0  }
0xfd: {  	v2 =	vld [tilespmem:s10+$0x10100]  }
0xfe: {  	v0 =	vadd.f32 v3, v0  }
0xff: {  	v3 =	vld [tilespmem:s10+$0x10180]  }
0x100: {  	v0 =	vadd.f32 v1, v0  }
0x101: {  	v1 =	vld [tilespmem:s10+$0x10200]  }
0x102: {  	v0 =	vadd.f32 v2, v0  }
0x103: {  	v2 =	vld [tilespmem:s10+$0x10280]  }
0x104: {  	v0 =	vadd.f32 v3, v0  }
0x105: {  	v3 =	vld [tilespmem:s10+$0x10300]  }
0x106: {  	v0 =	vadd.f32 v1, v0  }
0x107: {  	v1 =	vld [tilespmem:s10+$0x10380]  }
0x108: {  	v0 =	vadd.f32 v2, v0  }
0x109: {  	v2 =	vld [tilespmem:s10+$0x10400]  }
0x10a: {  	v0 =	vadd.f32 v3, v0  }
0x10b: {  	v3 =	vld [tilespmem:s10+$0x10480]  }
0x10c: {  	v0 =	vadd.f32 v1, v0;
	_ =	sdelay $0x1  }
0x10d: {  	v0 =	vadd.f32 v2, v0;
	_ =	sdelay $0x1  }
0x10e: {  	v0 =	vadd.f32 v3, v0;
	_ =	sdelay $0x1  }
0x10f: {  	v0 =	vadd.f32 $1.000000000e+00, v0;
	_ =	sdelay $0x1  }
0x110: {  	v1 =	vshrl.u32 v0, $0x1;
	v0 =	vmul.f32 $5.000000000e-01, v0  }
0x111: {  	v1 =	vsub.s32 $0x5F3759DF, v1  }
0x112: {  	v2 =	vmul.f32 v1, v0;
	_ =	sdelay $0x1  }
0x113: {  	v2 =	vmul.f32 v1, v2;
	_ =	sdelay $0x1  }
0x114: {  	v2 =	vsub.f32 $1.500000000e+00, v2;
	_ =	sdelay $0x1  }
0x115: {  	v1 =	vmul.f32 v1, v2;
	_ =	sdelay $0x1  }
0x116: {  	v2 =	vmul.f32 v1, v0;
	_ =	sdelay $0x1  }
0x117: {  	v2 =	vmul.f32 v2, v1;
	_ =	sdelay $0x1  }
0x118: {  	v2 =	vsub.f32 $1.500000000e+00, v2;
	_ =	sdelay $0x1  }
0x119: {  	v1 =	vmul.f32 v2, v1;
	_ =	sdelay $0x1  }
0x11a: {  	v0 =	vmul.f32 v1, v0;
	_ =	sdelay $0x1  }
0x11b: {  	v0 =	vmul.f32 v0, v1;
	_ =	sdelay $0x1  }
0x11c: {  	v0 =	vsub.f32 $1.500000000e+00, v0;
	_ =	sdelay $0x1  }
0x11d: {  	v0 =	vmul.f32 v0, v1;
	_ =	sdelay $0x1  }
0x11e: {  	[tilespmem:s9+$0x0] =	vst v0  }
0x11f: {  	v1 =	vld [tilespmem:s8+$0x0];
	_ =	sdelay $0x4  }
0x120: {  	v0 =	vmul.f32 v0, v1  }
0x121: {  	s25 =	sadd.s32 s4, s6  }
0x122: {  	s26 =	simm.s32 $0x0;
	s28 =	simm.s32 $0x11500;
	s29 =	simm.s32 $0x1;
	[tilespmem:s8+$0x0] =	vst v0  }
0x123: {  	[hbm4b:s25+s26] =	stream.linear.scatter [tilespmem:s28], [sflag:$0x1], $0x280, $0x38;
	[tilespmem:$0x11A00] =	vst v63  }
0x124: {  	_ =	swait.ge [sflag:s29], $0x280  }
0x125: {  	[sflag:s29] =	ssyncset.done $0x0  }
0x126: {  	s5 =	sadd.s32 s5, s6;
	s30 =	simm.s32 $0x11780;
	[sflag:s29] =	ssyncadd.s32 $0xFFFFFD80  }
0x127: {  	[hbm4b:s5+s26] =	stream.linear.scatter [tilespmem:s30], [sflag:$0x1], $0x280, $0x38;
	[tilespmem:$0x11A00] =	vst v63  }
0x128: {  	_ =	swait.ge [sflag:s29], $0x280  }
0x129: {  	[sflag:s29] =	ssyncset.done $0x0  }
0x12a: {  	[sflag:s29] =	ssyncadd.s32 $0xFFFFFD80  }
0x12b: {  	s31 =	simm.s32 $0x2800;
	[bflag:$0x0] =	sbarrier.arrive $0xFFFF  }
0x12c: {  	[tilespmem:s31], [sflag:$0x1] =	stream.linear.gather [hbm4b:s4+s26], $0x2800, $0x38;
	[tilespmem:$0x11A00] =	vst v63  }
0x12d: {  	_ =	swait.ge [sflag:s29], $0x2800  }
0x12e: {  	[sflag:s29] =	ssyncset.done $0x0  }
0x12f: {  	s7 =	simm.s32 $0x0;
	v0 =	vimm.f32 $0.0e+00;
	s4 =	simm.s32 $0x40;
	[sflag:s29] =	ssyncadd.s32 $0xFFFFD800  }
.LBB2_7:
0x130: {  	p0 =	sne.s32 s4, $0x9FC0;
	[tilespmem:s7+$0x0] =	vst v0;
	s5 =	smov.u32 s4;
	s4 =	sadd.s32 $0x40, s4  }
.Ltmp3:
0x131: {  	(pc) =	sbr.rel @p0 .LBB2_7-.Ltmp3, $2  }
0x132: {  	_ =	sdelay $0x2  }
0x133: {  	s7 =	sshra.s32 s5, $0x2  }
0x134: {  	s4 =	simm.s32 $0xFFFFFFCE;
	s5 =	simm.s32 $0x0;
	s6 =	simm.s32 $0xA010  }
0x135: {  	[tilespmem:s7+$0x0] =	vst v0;
	s7 =	simm.s32 $0x5190;
	s8 =	simm.s32 $0x2800;
	s9 =	simm.s32 $0x0  }
.LBB2_9:
0x136: {  	v0 =	vld [tilespmem:s7+$0xFFFFFE70];
	_ =	sdelay $0x4  }
0x137: {  	v1 =	vld [tilespmem:s6+$0xFFFFFE70];
	_ =	sdelay $0x2  }
0x138: {  	v0 =	vld.idx.msk [tilespmem:v0+s8+$0x0], $0xffff;
	_ =	sdelay $0x4  }
0x139: {  	[tilespmem:v1+s5+$0x0] =	vst.idx.add.f32.msk $0xffff, v0  }
0x13a: {  	v0 =	vld [tilespmem:s7+$0xFFFFFE80];
	_ =	sdelay $0x4  }
0x13b: {  	v1 =	vld [tilespmem:s6+$0xFFFFFE80];
	_ =	sdelay $0x2  }
0x13c: {  	v0 =	vld.idx.msk [tilespmem:v0+s8+$0x0], $0xffff;
	_ =	sdelay $0x4  }
0x13d: {  	[tilespmem:v1+s5+$0x0] =	vst.idx.add.f32.msk $0xffff, v0  }
0x13e: {  	v0 =	vld [tilespmem:s7+$0xFFFFFE90];
	_ =	sdelay $0x4  }
0x13f: {  	v1 =	vld [tilespmem:s6+$0xFFFFFE90];
	_ =	sdelay $0x2  }
0x140: {  	v0 =	vld.idx.msk [tilespmem:v0+s8+$0x0], $0xffff;
	_ =	sdelay $0x4  }
0x141: {  	[tilespmem:v1+s5+$0x0] =	vst.idx.add.f32.msk $0xffff, v0  }
0x142: {  	v0 =	vld [tilespmem:s7+$0xFFFFFEA0];
	_ =	sdelay $0x4  }
0x143: {  	v1 =	vld [tilespmem:s6+$0xFFFFFEA0];
	_ =	sdelay $0x2  }
0x144: {  	v0 =	vld.idx.msk [tilespmem:v0+s8+$0x0], $0xffff;
	_ =	sdelay $0x4  }
0x145: {  	[tilespmem:v1+s5+$0x0] =	vst.idx.add.f32.msk $0xffff, v0  }
0x146: {  	v0 =	vld [tilespmem:s7+$0xFFFFFEB0];
	_ =	sdelay $0x4  }
0x147: {  	v1 =	vld [tilespmem:s6+$0xFFFFFEB0];
	_ =	sdelay $0x2  }
0x148: {  	v0 =	vld.idx.msk [tilespmem:v0+s8+$0x0], $0xffff;
	_ =	sdelay $0x4  }
0x149: {  	[tilespmem:v1+s5+$0x0] =	vst.idx.add.f32.msk $0xffff, v0  }
0x14a: {  	v0 =	vld [tilespmem:s7+$0xFFFFFEC0];
	_ =	sdelay $0x4  }
0x14b: {  	v1 =	vld [tilespmem:s6+$0xFFFFFEC0];
	_ =	sdelay $0x2  }
0x14c: {  	v0 =	vld.idx.msk [tilespmem:v0+s8+$0x0], $0xffff;
	_ =	sdelay $0x4  }
0x14d: {  	[tilespmem:v1+s5+$0x0] =	vst.idx.add.f32.msk $0xffff, v0  }
0x14e: {  	v0 =	vld [tilespmem:s7+$0xFFFFFED0];
	_ =	sdelay $0x4  }
0x14f: {  	v1 =	vld [tilespmem:s6+$0xFFFFFED0];
	_ =	sdelay $0x2  }
0x150: {  	v0 =	vld.idx.msk [tilespmem:v0+s8+$0x0], $0xffff;
	_ =	sdelay $0x4  }
0x151: {  	[tilespmem:v1+s5+$0x0] =	vst.idx.add.f32.msk $0xffff, v0  }
0x152: {  	v0 =	vld [tilespmem:s7+$0xFFFFFEE0];
	_ =	sdelay $0x4  }
0x153: {  	v1 =	vld [tilespmem:s6+$0xFFFFFEE0];
	_ =	sdelay $0x2  }
0x154: {  	v0 =	vld.idx.msk [tilespmem:v0+s8+$0x0], $0xffff;
	_ =	sdelay $0x4  }
0x155: {  	s10 =	sand.u32 $0x7FE0, s9;
	[tilespmem:v1+s5+$0x0] =	vst.idx.add.f32.msk $0xffff, v0  }
0x156: {  	v0 =	vld [tilespmem:s10+$0x5080];
	_ =	sdelay $0x4  }
0x157: {  	v1 =	vld [tilespmem:s10+$0x9F00];
	_ =	sdelay $0x2  }
0x158: {  	v0 =	vld.idx.msk [tilespmem:v0+s8+$0x0], $0xffff;
	_ =	sdelay $0x4  }
0x159: {  	[tilespmem:v1+s5+$0x0] =	vst.idx.add.f32.msk $0xffff, v0  }
0x15a: {  	v0 =	vld [tilespmem:s7+$0xFFFFFF00];
	_ =	sdelay $0x4  }
0x15b: {  	v1 =	vld [tilespmem:s6+$0xFFFFFF00];
	_ =	sdelay $0x2  }
0x15c: {  	v0 =	vld.idx.msk [tilespmem:v0+s8+$0x0], $0xffff;
	_ =	sdelay $0x4  }
0x15d: {  	[tilespmem:v1+s5+$0x0] =	vst.idx.add.f32.msk $0xffff, v0  }
0x15e: {  	v0 =	vld [tilespmem:s7+$0xFFFFFF10];
	_ =	sdelay $0x4  }
0x15f: {  	v1 =	vld [tilespmem:s6+$0xFFFFFF10];
	_ =	sdelay $0x2  }
0x160: {  	v0 =	vld.idx.msk [tilespmem:v0+s8+$0x0], $0xffff;
	_ =	sdelay $0x4  }
0x161: {  	[tilespmem:v1+s5+$0x0] =	vst.idx.add.f32.msk $0xffff, v0  }
0x162: {  	v0 =	vld [tilespmem:s7+$0xFFFFFF20];
	_ =	sdelay $0x4  }
0x163: {  	v1 =	vld [tilespmem:s6+$0xFFFFFF20];
	_ =	sdelay $0x2  }
0x164: {  	v0 =	vld.idx.msk [tilespmem:v0+s8+$0x0], $0xffff;
	_ =	sdelay $0x4  }
0x165: {  	[tilespmem:v1+s5+$0x0] =	vst.idx.add.f32.msk $0xffff, v0  }
0x166: {  	v0 =	vld [tilespmem:s7+$0xFFFFFF30];
	_ =	sdelay $0x4  }
0x167: {  	v1 =	vld [tilespmem:s6+$0xFFFFFF30];
	_ =	sdelay $0x2  }
0x168: {  	v0 =	vld.idx.msk [tilespmem:v0+s8+$0x0], $0xffff;
	_ =	sdelay $0x4  }
0x169: {  	[tilespmem:v1+s5+$0x0] =	vst.idx.add.f32.msk $0xffff, v0  }
0x16a: {  	v0 =	vld [tilespmem:s7+$0xFFFFFF40];
	_ =	sdelay $0x4  }
0x16b: {  	v1 =	vld [tilespmem:s6+$0xFFFFFF40];
	_ =	sdelay $0x2  }
0x16c: {  	v0 =	vld.idx.msk [tilespmem:v0+s8+$0x0], $0xffff;
	_ =	sdelay $0x4  }
0x16d: {  	[tilespmem:v1+s5+$0x0] =	vst.idx.add.f32.msk $0xffff, v0  }
0x16e: {  	v0 =	vld [tilespmem:s7+$0xFFFFFF50];
	_ =	sdelay $0x4  }
0x16f: {  	v1 =	vld [tilespmem:s6+$0xFFFFFF50];
	_ =	sdelay $0x2  }
0x170: {  	v0 =	vld.idx.msk [tilespmem:v0+s8+$0x0], $0xffff;
	_ =	sdelay $0x4  }
0x171: {  	[tilespmem:v1+s5+$0x0] =	vst.idx.add.f32.msk $0xffff, v0  }
0x172: {  	v0 =	vld [tilespmem:s7+$0xFFFFFF60];
	_ =	sdelay $0x4  }
0x173: {  	v1 =	vld [tilespmem:s6+$0xFFFFFF60];
	_ =	sdelay $0x2  }
0x174: {  	v0 =	vld.idx.msk [tilespmem:v0+s8+$0x0], $0xffff;
	_ =	sdelay $0x4  }
0x175: {  	[tilespmem:v1+s5+$0x0] =	vst.idx.add.f32.msk $0xffff, v0  }
0x176: {  	v0 =	vld [tilespmem:s10+$0x5100];
	_ =	sdelay $0x4  }
0x177: {  	v1 =	vld [tilespmem:s10+$0x9F80];
	_ =	sdelay $0x2  }
0x178: {  	v0 =	vld.idx.msk [tilespmem:v0+s8+$0x0], $0xffff;
	_ =	sdelay $0x4  }
0x179: {  	[tilespmem:v1+s5+$0x0] =	vst.idx.add.f32.msk $0xffff, v0  }
0x17a: {  	v0 =	vld [tilespmem:s7+$0xFFFFFF80];
	_ =	sdelay $0x4  }
0x17b: {  	v1 =	vld [tilespmem:s6+$0xFFFFFF80];
	_ =	sdelay $0x2  }
0x17c: {  	v0 =	vld.idx.msk [tilespmem:v0+s8+$0x0], $0xffff;
	_ =	sdelay $0x4  }
0x17d: {  	[tilespmem:v1+s5+$0x0] =	vst.idx.add.f32.msk $0xffff, v0  }
0x17e: {  	v0 =	vld [tilespmem:s7+$0xFFFFFF90];
	_ =	sdelay $0x4  }
0x17f: {  	v1 =	vld [tilespmem:s6+$0xFFFFFF90];
	_ =	sdelay $0x2  }
0x180: {  	v0 =	vld.idx.msk [tilespmem:v0+s8+$0x0], $0xffff;
	_ =	sdelay $0x4  }
0x181: {  	[tilespmem:v1+s5+$0x0] =	vst.idx.add.f32.msk $0xffff, v0  }
0x182: {  	v0 =	vld [tilespmem:s7+$0xFFFFFFA0];
	_ =	sdelay $0x4  }
0x183: {  	v1 =	vld [tilespmem:s6+$0xFFFFFFA0];
	_ =	sdelay $0x2  }
0x184: {  	v0 =	vld.idx.msk [tilespmem:v0+s8+$0x0], $0xffff;
	_ =	sdelay $0x4  }
0x185: {  	[tilespmem:v1+s5+$0x0] =	vst.idx.add.f32.msk $0xffff, v0  }
0x186: {  	v0 =	vld [tilespmem:s7+$0xFFFFFFB0];
	_ =	sdelay $0x4  }
0x187: {  	v1 =	vld [tilespmem:s6+$0xFFFFFFB0];
	_ =	sdelay $0x2  }
0x188: {  	v0 =	vld.idx.msk [tilespmem:v0+s8+$0x0], $0xffff;
	_ =	sdelay $0x4  }
0x189: {  	[tilespmem:v1+s5+$0x0] =	vst.idx.add.f32.msk $0xffff, v0  }
0x18a: {  	v0 =	vld [tilespmem:s7+$0xFFFFFFC0];
	_ =	sdelay $0x4  }
0x18b: {  	v1 =	vld [tilespmem:s6+$0xFFFFFFC0];
	_ =	sdelay $0x2  }
0x18c: {  	v0 =	vld.idx.msk [tilespmem:v0+s8+$0x0], $0xffff;
	_ =	sdelay $0x4  }
0x18d: {  	[tilespmem:v1+s5+$0x0] =	vst.idx.add.f32.msk $0xffff, v0  }
0x18e: {  	v0 =	vld [tilespmem:s7+$0xFFFFFFD0];
	_ =	sdelay $0x4  }
0x18f: {  	v1 =	vld [tilespmem:s6+$0xFFFFFFD0];
	_ =	sdelay $0x2  }
0x190: {  	v0 =	vld.idx.msk [tilespmem:v0+s8+$0x0], $0xffff;
	_ =	sdelay $0x4  }
0x191: {  	[tilespmem:v1+s5+$0x0] =	vst.idx.add.f32.msk $0xffff, v0  }
0x192: {  	v0 =	vld [tilespmem:s7+$0xFFFFFFE0];
	_ =	sdelay $0x4  }
0x193: {  	v1 =	vld [tilespmem:s6+$0xFFFFFFE0];
	_ =	sdelay $0x2  }
0x194: {  	v0 =	vld.idx.msk [tilespmem:v0+s8+$0x0], $0xffff;
	_ =	sdelay $0x4  }
0x195: {  	[tilespmem:v1+s5+$0x0] =	vst.idx.add.f32.msk $0xffff, v0  }
0x196: {  	v0 =	vld [tilespmem:s10+$0x5180];
	_ =	sdelay $0x4  }
0x197: {  	v1 =	vld [tilespmem:s10+$0xA000];
	_ =	sdelay $0x2  }
0x198: {  	v0 =	vld.idx.msk [tilespmem:v0+s8+$0x0], $0xffff;
	_ =	sdelay $0x4  }
0x199: {  	[tilespmem:v1+s5+$0x0] =	vst.idx.add.f32.msk $0xffff, v0  }
0x19a: {  	v0 =	vld [tilespmem:s7+$0x0];
	_ =	sdelay $0x4  }
0x19b: {  	v1 =	vld [tilespmem:s6+$0x0];
	_ =	sdelay $0x2  }
0x19c: {  	v0 =	vld.idx.msk [tilespmem:v0+s8+$0x0], $0xffff;
	_ =	sdelay $0x4  }
0x19d: {  	[tilespmem:v1+s5+$0x0] =	vst.idx.add.f32.msk $0xffff, v0  }
0x19e: {  	v0 =	vld [tilespmem:s7+$0x10];
	_ =	sdelay $0x4  }
0x19f: {  	v1 =	vld [tilespmem:s6+$0x10];
	_ =	sdelay $0x2  }
0x1a0: {  	v0 =	vld.idx.msk [tilespmem:v0+s8+$0x0], $0xffff;
	_ =	sdelay $0x4  }
0x1a1: {  	[tilespmem:v1+s5+$0x0] =	vst.idx.add.f32.msk $0xffff, v0  }
0x1a2: {  	v0 =	vld [tilespmem:s7+$0x20];
	_ =	sdelay $0x4  }
0x1a3: {  	v1 =	vld [tilespmem:s6+$0x20];
	_ =	sdelay $0x2  }
0x1a4: {  	v0 =	vld.idx.msk [tilespmem:v0+s8+$0x0], $0xffff;
	_ =	sdelay $0x4  }
0x1a5: {  	[tilespmem:v1+s5+$0x0] =	vst.idx.add.f32.msk $0xffff, v0  }
0x1a6: {  	v0 =	vld [tilespmem:s7+$0x30];
	_ =	sdelay $0x4  }
0x1a7: {  	v1 =	vld [tilespmem:s6+$0x30];
	_ =	sdelay $0x2  }
0x1a8: {  	v0 =	vld.idx.msk [tilespmem:v0+s8+$0x0], $0xffff;
	_ =	sdelay $0x4  }
0x1a9: {  	[tilespmem:v1+s5+$0x0] =	vst.idx.add.f32.msk $0xffff, v0  }
0x1aa: {  	v0 =	vld [tilespmem:s7+$0x40];
	_ =	sdelay $0x4  }
0x1ab: {  	v1 =	vld [tilespmem:s6+$0x40];
	_ =	sdelay $0x2  }
0x1ac: {  	v0 =	vld.idx.msk [tilespmem:v0+s8+$0x0], $0xffff;
	_ =	sdelay $0x4  }
0x1ad: {  	[tilespmem:v1+s5+$0x0] =	vst.idx.add.f32.msk $0xffff, v0  }
0x1ae: {  	v0 =	vld [tilespmem:s7+$0x50];
	_ =	sdelay $0x4  }
0x1af: {  	v1 =	vld [tilespmem:s6+$0x50];
	_ =	sdelay $0x2  }
0x1b0: {  	v0 =	vld.idx.msk [tilespmem:v0+s8+$0x0], $0xffff;
	_ =	sdelay $0x4  }
0x1b1: {  	[tilespmem:v1+s5+$0x0] =	vst.idx.add.f32.msk $0xffff, v0  }
0x1b2: {  	v0 =	vld [tilespmem:s7+$0x60];
	_ =	sdelay $0x4  }
0x1b3: {  	v1 =	vld [tilespmem:s6+$0x60];
	_ =	sdelay $0x2  }
0x1b4: {  	v0 =	vld.idx.msk [tilespmem:v0+s8+$0x0], $0xffff;
	_ =	sdelay $0x4  }
0x1b5: {  	[tilespmem:v1+s5+$0x0] =	vst.idx.add.f32.msk $0xffff, v0  }
0x1b6: {  	v0 =	vld [tilespmem:s10+$0x5200];
	_ =	sdelay $0x4  }
0x1b7: {  	v1 =	vld [tilespmem:s10+$0xA080];
	_ =	sdelay $0x2  }
0x1b8: {  	v0 =	vld.idx.msk [tilespmem:v0+s8+$0x0], $0xffff;
	_ =	sdelay $0x4  }
0x1b9: {  	[tilespmem:v1+s5+$0x0] =	vst.idx.add.f32.msk $0xffff, v0  }
0x1ba: {  	v0 =	vld [tilespmem:s7+$0x80];
	_ =	sdelay $0x4  }
0x1bb: {  	v1 =	vld [tilespmem:s6+$0x80];
	_ =	sdelay $0x2  }
0x1bc: {  	v0 =	vld.idx.msk [tilespmem:v0+s8+$0x0], $0xffff;
	_ =	sdelay $0x4  }
0x1bd: {  	[tilespmem:v1+s5+$0x0] =	vst.idx.add.f32.msk $0xffff, v0  }
0x1be: {  	v0 =	vld [tilespmem:s7+$0x90];
	_ =	sdelay $0x4  }
0x1bf: {  	v1 =	vld [tilespmem:s6+$0x90];
	_ =	sdelay $0x2  }
0x1c0: {  	v0 =	vld.idx.msk [tilespmem:v0+s8+$0x0], $0xffff;
	_ =	sdelay $0x4  }
0x1c1: {  	[tilespmem:v1+s5+$0x0] =	vst.idx.add.f32.msk $0xffff, v0  }
0x1c2: {  	v0 =	vld [tilespmem:s7+$0xA0];
	_ =	sdelay $0x4  }
0x1c3: {  	v1 =	vld [tilespmem:s6+$0xA0];
	_ =	sdelay $0x2  }
0x1c4: {  	v0 =	vld.idx.msk [tilespmem:v0+s8+$0x0], $0xffff;
	_ =	sdelay $0x4  }
0x1c5: {  	[tilespmem:v1+s5+$0x0] =	vst.idx.add.f32.msk $0xffff, v0  }
0x1c6: {  	v0 =	vld [tilespmem:s7+$0xB0];
	_ =	sdelay $0x4  }
0x1c7: {  	v1 =	vld [tilespmem:s6+$0xB0];
	_ =	sdelay $0x2  }
0x1c8: {  	v0 =	vld.idx.msk [tilespmem:v0+s8+$0x0], $0xffff;
	_ =	sdelay $0x4  }
0x1c9: {  	[tilespmem:v1+s5+$0x0] =	vst.idx.add.f32.msk $0xffff, v0  }
0x1ca: {  	v0 =	vld [tilespmem:s7+$0xC0];
	_ =	sdelay $0x4  }
0x1cb: {  	v1 =	vld [tilespmem:s6+$0xC0];
	_ =	sdelay $0x2  }
0x1cc: {  	v0 =	vld.idx.msk [tilespmem:v0+s8+$0x0], $0xffff;
	_ =	sdelay $0x4  }
0x1cd: {  	[tilespmem:v1+s5+$0x0] =	vst.idx.add.f32.msk $0xffff, v0  }
0x1ce: {  	v0 =	vld [tilespmem:s7+$0xD0];
	_ =	sdelay $0x4  }
0x1cf: {  	v1 =	vld [tilespmem:s6+$0xD0];
	_ =	sdelay $0x2  }
0x1d0: {  	v0 =	vld.idx.msk [tilespmem:v0+s8+$0x0], $0xffff;
	_ =	sdelay $0x4  }
0x1d1: {  	[tilespmem:v1+s5+$0x0] =	vst.idx.add.f32.msk $0xffff, v0  }
0x1d2: {  	v0 =	vld [tilespmem:s7+$0xE0];
	_ =	sdelay $0x4  }
0x1d3: {  	v1 =	vld [tilespmem:s6+$0xE0];
	_ =	sdelay $0x2  }
0x1d4: {  	v0 =	vld.idx.msk [tilespmem:v0+s8+$0x0], $0xffff;
	_ =	sdelay $0x4  }
0x1d5: {  	[tilespmem:v1+s5+$0x0] =	vst.idx.add.f32.msk $0xffff, v0  }
0x1d6: {  	v0 =	vld [tilespmem:s10+$0x5280];
	_ =	sdelay $0x4  }
0x1d7: {  	v1 =	vld [tilespmem:s10+$0xA100];
	_ =	sdelay $0x2  }
0x1d8: {  	v0 =	vld.idx.msk [tilespmem:v0+s8+$0x0], $0xffff;
	_ =	sdelay $0x4  }
0x1d9: {  	[tilespmem:v1+s5+$0x0] =	vst.idx.add.f32.msk $0xffff, v0  }
0x1da: {  	v0 =	vld [tilespmem:s7+$0x100];
	_ =	sdelay $0x4  }
0x1db: {  	v1 =	vld [tilespmem:s6+$0x100];
	_ =	sdelay $0x2  }
0x1dc: {  	v0 =	vld.idx.msk [tilespmem:v0+s8+$0x0], $0xffff;
	_ =	sdelay $0x4  }
0x1dd: {  	[tilespmem:v1+s5+$0x0] =	vst.idx.add.f32.msk $0xffff, v0  }
0x1de: {  	v0 =	vld [tilespmem:s7+$0x110];
	_ =	sdelay $0x4  }
0x1df: {  	v1 =	vld [tilespmem:s6+$0x110];
	_ =	sdelay $0x2  }
0x1e0: {  	v0 =	vld.idx.msk [tilespmem:v0+s8+$0x0], $0xffff;
	_ =	sdelay $0x4  }
0x1e1: {  	[tilespmem:v1+s5+$0x0] =	vst.idx.add.f32.msk $0xffff, v0  }
0x1e2: {  	v0 =	vld [tilespmem:s7+$0x120];
	_ =	sdelay $0x4  }
0x1e3: {  	v1 =	vld [tilespmem:s6+$0x120];
	_ =	sdelay $0x2  }
0x1e4: {  	v0 =	vld.idx.msk [tilespmem:v0+s8+$0x0], $0xffff;
	_ =	sdelay $0x4  }
0x1e5: {  	[tilespmem:v1+s5+$0x0] =	vst.idx.add.f32.msk $0xffff, v0  }
0x1e6: {  	v0 =	vld [tilespmem:s7+$0x130];
	_ =	sdelay $0x4  }
0x1e7: {  	v1 =	vld [tilespmem:s6+$0x130];
	_ =	sdelay $0x2  }
0x1e8: {  	v0 =	vld.idx.msk [tilespmem:v0+s8+$0x0], $0xffff;
	_ =	sdelay $0x4  }
0x1e9: {  	[tilespmem:v1+s5+$0x0] =	vst.idx.add.f32.msk $0xffff, v0  }
0x1ea: {  	v0 =	vld [tilespmem:s7+$0x140];
	_ =	sdelay $0x4  }
0x1eb: {  	v1 =	vld [tilespmem:s6+$0x140];
	_ =	sdelay $0x2  }
0x1ec: {  	v0 =	vld.idx.msk [tilespmem:v0+s8+$0x0], $0xffff;
	_ =	sdelay $0x4  }
0x1ed: {  	[tilespmem:v1+s5+$0x0] =	vst.idx.add.f32.msk $0xffff, v0  }
0x1ee: {  	v0 =	vld [tilespmem:s7+$0x150];
	_ =	sdelay $0x4  }
0x1ef: {  	v1 =	vld [tilespmem:s6+$0x150];
	_ =	sdelay $0x2  }
0x1f0: {  	v0 =	vld.idx.msk [tilespmem:v0+s8+$0x0], $0xffff;
	_ =	sdelay $0x4  }
0x1f1: {  	[tilespmem:v1+s5+$0x0] =	vst.idx.add.f32.msk $0xffff, v0  }
0x1f2: {  	v0 =	vld [tilespmem:s7+$0x160];
	_ =	sdelay $0x4  }
0x1f3: {  	v1 =	vld [tilespmem:s6+$0x160];
	_ =	sdelay $0x2  }
0x1f4: {  	v0 =	vld.idx.msk [tilespmem:v0+s8+$0x0], $0xffff;
	_ =	sdelay $0x4  }
0x1f5: {  	[tilespmem:v1+s5+$0x0] =	vst.idx.add.f32.msk $0xffff, v0  }
0x1f6: {  	v0 =	vld [tilespmem:s10+$0x5300];
	_ =	sdelay $0x4  }
0x1f7: {  	v1 =	vld [tilespmem:s10+$0xA180];
	_ =	sdelay $0x2  }
0x1f8: {  	v0 =	vld.idx.msk [tilespmem:v0+s8+$0x0], $0xffff;
	_ =	sdelay $0x4  }
0x1f9: {  	[tilespmem:v1+s5+$0x0] =	vst.idx.add.f32.msk $0xffff, v0  }
0x1fa: {  	v0 =	vld [tilespmem:s7+$0x180];
	_ =	sdelay $0x4  }
0x1fb: {  	v1 =	vld [tilespmem:s6+$0x180];
	_ =	sdelay $0x1  }
0x1fc: {  	s4 =	sadd.s32 $0x32, s4  }
0x1fd: {  	p0 =	slt.u32 s4, $0x4B0;
	v0 =	vld.idx.msk [tilespmem:v0+s8+$0x0], $0xffff  }
.Ltmp4:
0x1fe: {  	_ = 	snop;
	(pc) =	sbr.rel @p0 .LBB2_9-.Ltmp4, $2  }
0x1ff: {  	_ =	sdelay $0x2  }
0x200: {  	s9 =	sadd.s32 $0x320, s9;
	s6 =	sadd.s32 $0x320, s6;
	s7 =	sadd.s32 $0x320, s7;
	[tilespmem:v1+s5+$0x0] =	vst.idx.add.f32.msk $0xffff, v0  }
0x201: {  	s2 =	sadd.s32 s2, s3;
	s30 =	simm.s32 $0x80  }
0x202: {  	s4 =	simm.s32 $0x400;
	s5 =	simm.s32 $0x0;
	s31 =	simm.s32 $0x1  }
0x203: {  	[hbm4b:s2+s30] =	stream.strided.scatter [tilespmem:s5], [sflag:$0x1], $0x2800, s4, s30, $0x38;
	[tilespmem:$0x11A00] =	vst v63  }
0x204: {  	_ =	swait.ge [sflag:s31], $0x2800  }
0x205: {  	[sflag:s31] =	ssyncset.done $0x0  }
0x206: {  	[sflag:s31] =	ssyncadd.s32 $0xFFFFD800  }
0x207: {  	_ =	sfence.sel $0x180000  }
0x208: {  	[bflag:$0x0] =	sbarrier.arrive $0xFFFF  }
0x209: {  	p0 =	sne.s32 s1, $0x0;
	_ =	strace $0x90000047  }
0x20a: {  	s0 =	sadd.s32 @!p0 $0x100000, s0;
	[bflag:$0x2] =	sbarrier.arrive $0xFFFF  }
0x20b: {  	[sflag:s0] =	ssyncadd.tile.s32 @!p0 $0x1;
	_ =	shalt  }
.Lfunc_end2:
_tile_overlayer_lowered:
.L_overlay_start_2:
0x20c: {  	(tag) =	ssettag $0x2  }
0x20d: {  	s0 =	rddreg [dreg:$0x0];
	s2 =	stileid.u32  }
0x20e: {  	s1 =	rddreg [dreg:$0x1];
	p0 =	sne.s32 s2, $0x0  }
0x20f: {  	s3 =	rddreg [dreg:$0x2];
	[bflag:$0x3] =	sbarrier.arrive $0xFFFF;
	s2 =	simm.s32 @!p0 $0x1C01  }
0x210: {  	[timem:s3], [sflag:s2] =	dma.local @!p0 [hbm:s0], s1  }
0x211: {  	s0 =	simm.s32 @!p0 $0x1  }
0x212: {  	_ =	swait.ge @!p0 [sflag:s0], s1  }
0x213: {  	s1 =	ssub.s32 @!p0 $0x0, s1;
	[sflag:s0] =	ssyncset.done @!p0 $0x0  }
0x214: {  	[sflag:s0] =	ssyncadd.s32 @!p0 s1  }
0x215: {  	[bflag:$0x3] =	sbarrier.arrive $0xFFFF  }
0x216: {  	_ =	shalt  }

</sc_bundles>
